<compile_context>
chip_gen: v7x
topology: tpu7x:2x2x1
jax: 0.10.2.dev20260603
libtpu: 0.0.44.dev20260713+nightly
codegen_flags: <defaults>
</compile_context>

<pallas_src>
import functools

import jax
import jax.numpy as jnp
from jax import lax
from jax.experimental import pallas as pl
from jax.experimental.pallas import tpu as pltpu
from jax.experimental.pallas import tpu_sc as plsc

_P = 0.12
_NC = 2


def _jitter_indices(B, T):
    logits = jnp.log(jnp.array([_P / 2, 1 - _P, _P / 2], dtype=jnp.float32))
    key = jax.random.fold_in(jax.random.key(0), 1)
    idx = jax.random.categorical(key, logits, shape=(B, T)) - 1
    idx = idx.at[:, 0].set(jnp.clip(idx[:, 0], 0, 1))
    idx = idx.at[:, -1].set(jnp.clip(idx[:, -1], -1, 0))
    idx = idx + jnp.arange(T, dtype=idx.dtype)
    return idx.astype(jnp.int32)


def _sc_gather(B, C, T):
    L = 16
    R = 4
    G = C // R
    S = 3
    mesh = plsc.VectorSubcoreMesh(core_axis_name="c", subcore_axis_name="s")

    def body(x_hbm, idx_hbm, out_hbm, idx_v, *rest):
        bufs, sems = rest[:2 * S * R], rest[2 * S * R:]
        ins = tuple(bufs[i * R:(i + 1) * R] for i in range(S))
        outs = tuple(bufs[(S + i) * R:(S + i + 1) * R] for i in range(S))
        sin = sems[0:S]
        sout = sems[S:2 * S]

        b = lax.axis_index("s") * _NC + lax.axis_index("c")
        pltpu.sync_copy(idx_hbm.at[b], idx_v)

        def in_copy(g, s, r):
            return pltpu.make_async_copy(
                x_hbm.at[b, g * R + r], ins[s][r], sin[s])

        def out_copy(g, s, r):
            return pltpu.make_async_copy(
                outs[s][r], out_hbm.at[b, g * R + r], sout[s])

        for s in range(S):
            for r in range(R):
                in_copy(jnp.int32(s), s, r).start()

        def step(g, s):
            g = jnp.int32(g)
            for r in range(R):
                in_copy(g, s, r).wait()

            @pl.when(g >= S)
            def _wait_out():
                for r in range(R):
                    out_copy(g - S, s, r).wait()

            @plsc.parallel_loop(0, T, step=L, unroll=4)
            def _chunk(t0):
                src = idx_v[pl.ds(t0, L)]
                for r in range(R):
                    v = plsc.load_gather(ins[s][r], [src])
                    outs[s][r][pl.ds(t0, L)] = v
            for r in range(R):
                out_copy(g, s, r).start()

            @pl.when(g + S < G)
            def _next_in():
                for r in range(R):
                    in_copy(g + S, s, r).start()

        def group_block(i, carry):
            for s in range(S):
                step(i * S + s, s)
            return carry

        lax.fori_loop(0, G // S, group_block, 0)
        for g in range((G // S) * S, G):
            step(g, g % S)
        for g in range(G - S, G):
            for r in range(R):
                out_copy(jnp.int32(g), g % S, r).wait()

    return pl.kernel(
        body,
        out_type=jax.ShapeDtypeStruct((B, C, T), jnp.float32),
        mesh=mesh,
        compiler_params=pltpu.CompilerParams(needs_layout_passes=False),
        scratch_types=(
            [pltpu.VMEM((T,), jnp.int32)]
            + [pltpu.VMEM((T,), jnp.float32) for _ in range(2 * S * R)]
            + [pltpu.SemaphoreType.DMA for _ in range(2 * S)]
        ),
    )


@functools.lru_cache(maxsize=None)
def _build(B, C, T):
    return _sc_gather(B, C, T)


def kernel(x):
    B, C, T = x.shape
    idx = _jitter_indices(B, T)
    return _build(B, C, T)(x, idx)

# --- scband reference (transcript-rebuilt; emitter-appended) ---
"""Pipeline reference for scband-jitter-35485019800072 (READ-ONLY COPY).

The authoritative reference and input builder live on the scoring server;
editing this copy changes nothing except your own understanding.
"""

import jax, jax.numpy as jnp
import numpy as np

P = 0.12

def setup_inputs(seed: int = 0) -> dict:
    key = jax.random.key(seed)
    x = jax.random.normal(key, (32, 256, 4096), dtype=jnp.float32)
    return {"x": x}

def _sample_jitter_index(B, T, p):
    # Categorical over offsets {-1, 0, +1} with probs [p/2, 1-p, p/2]
    logits = jnp.log(jnp.array([p / 2, 1 - p, p / 2], dtype=jnp.float32))
    key = jax.random.fold_in(jax.random.key(0), 1)
    idx = jax.random.categorical(key, logits, shape=(B, T)) - 1
    # clamp boundaries so gather stays in-range (mirrors index[:,0].clamp_(0,1), index[:,-1].clamp_(-1,0))
    idx = idx.at[:, 0].set(jnp.clip(idx[:, 0], 0, 1))
    idx = idx.at[:, -1].set(jnp.clip(idx[:, -1], -1, 0))
    idx = idx + jnp.arange(T, dtype=idx.dtype)
    return idx

def reference(x):
    B, C, T = x.shape
    xt = jnp.transpose(x, (0, 2, 1))  # [B, T, C]
    idx = _sample_jitter_index(B, T, P)  # [B, T]
    idx_full = jnp.broadcast_to(idx[:, :, None], (B, T, C))
    gathered = jnp.take_along_axis(xt, idx_full, axis=1)  # gather along time
    return jnp.transpose(gathered, (0, 2, 1))  # [B, C, T]

if __name__ == "__main__":
    import jax
    _d = setup_inputs()
    print(jax.jit(kernel)(*tuple(_d.values())))

</pallas_src>

<mosaic_0001>
#map = affine_map<(d0, d1) -> (0, 0, 0)>
#map1 = affine_map<(d0, d1) -> (0, 0)>
module attributes {stable_mosaic.version = 14 : i64} {
  func.func @body(%arg0: i32, %arg1: i32, %arg2: memref<32x256x4096xf32, #tpu.memory_space<hbm>>, %arg3: memref<32x4096xi32, #tpu.memory_space<hbm>>, %arg4: memref<32x256x4096xf32, #tpu.memory_space<hbm>>, %arg5: memref<4096xi32, #tpu.memory_space<vmem>>, %arg6: memref<4096xf32, #tpu.memory_space<vmem>>, %arg7: memref<4096xf32, #tpu.memory_space<vmem>>, %arg8: memref<4096xf32, #tpu.memory_space<vmem>>, %arg9: memref<4096xf32, #tpu.memory_space<vmem>>, %arg10: memref<4096xf32, #tpu.memory_space<vmem>>, %arg11: memref<4096xf32, #tpu.memory_space<vmem>>, %arg12: memref<4096xf32, #tpu.memory_space<vmem>>, %arg13: memref<4096xf32, #tpu.memory_space<vmem>>, %arg14: memref<4096xf32, #tpu.memory_space<vmem>>, %arg15: memref<4096xf32, #tpu.memory_space<vmem>>, %arg16: memref<4096xf32, #tpu.memory_space<vmem>>, %arg17: memref<4096xf32, #tpu.memory_space<vmem>>, %arg18: memref<4096xf32, #tpu.memory_space<vmem>>, %arg19: memref<4096xf32, #tpu.memory_space<vmem>>, %arg20: memref<4096xf32, #tpu.memory_space<vmem>>, %arg21: memref<4096xf32, #tpu.memory_space<vmem>>, %arg22: memref<4096xf32, #tpu.memory_space<vmem>>, %arg23: memref<4096xf32, #tpu.memory_space<vmem>>, %arg24: memref<4096xf32, #tpu.memory_space<vmem>>, %arg25: memref<4096xf32, #tpu.memory_space<vmem>>, %arg26: memref<4096xf32, #tpu.memory_space<vmem>>, %arg27: memref<4096xf32, #tpu.memory_space<vmem>>, %arg28: memref<4096xf32, #tpu.memory_space<vmem>>, %arg29: memref<4096xf32, #tpu.memory_space<vmem>>, %arg30: memref<!tpu.dma_semaphore, #tpu.memory_space<semaphore_mem>>, %arg31: memref<!tpu.dma_semaphore, #tpu.memory_space<semaphore_mem>>, %arg32: memref<!tpu.dma_semaphore, #tpu.memory_space<semaphore_mem>>, %arg33: memref<!tpu.dma_semaphore, #tpu.memory_space<semaphore_mem>>, %arg34: memref<!tpu.dma_semaphore, #tpu.memory_space<semaphore_mem>>, %arg35: memref<!tpu.dma_semaphore, #tpu.memory_space<semaphore_mem>>) attributes {dimension_semantics = [#tpu.dimension_semantics<core_parallel>, #tpu.dimension_semantics<subcore_parallel>], iteration_bounds = array<i64: 2, 16>, scalar_prefetch = 0 : i64, scratch_operands = 31 : i64, tpu.core_type = #tpu.core_type<sc_vector_subcore>, window_params = [{transform_indices = #map}, {transform_indices = #map1}, {transform_indices = #map}]} {
    %mul3A = arith.constant 2 : i32
    %mul3A_0 = arith.muli %arg1, %mul3A : i32
    %add3A = arith.addi %mul3A_0, %arg0 : i32
    "tpu.region"() ({
      %run_scoped3A = tpu.sem_alloc : memref<!tpu.dma_semaphore, #tpu.memory_space<semaphore_mem>>
      %dma_start3A_370 = arith.constant 0 : i32
      %dma_start3A_371 = tpu.memref_slice %arg3[%add3A, %dma_start3A_370] : memref<32x4096xi32, #tpu.memory_space<hbm>> -> memref<1x4096xi32, #tpu.memory_space<hbm>>
      %dma_start3A_372 = tpu.memref_squeeze %dma_start3A_371 : memref<1x4096xi32, #tpu.memory_space<hbm>> -> memref<4096xi32, #tpu.memory_space<hbm>>
      %dma_start3A_373 = arith.constant 0 : i32
      %dma_start3A_374 = tpu.memref_slice %arg3[%add3A, %dma_start3A_373] : memref<32x4096xi32, #tpu.memory_space<hbm>> -> memref<1x4096xi32, #tpu.memory_space<hbm>>
      %dma_start3A_375 = tpu.memref_squeeze %dma_start3A_374 : memref<1x4096xi32, #tpu.memory_space<hbm>> -> memref<4096xi32, #tpu.memory_space<hbm>>
      tpu.enqueue_dma source(%dma_start3A_375 : memref<4096xi32, #tpu.memory_space<hbm>>) target(%arg5 : memref<4096xi32, #tpu.memory_space<vmem>>) target_semaphore(%run_scoped3A : memref<!tpu.dma_semaphore, #tpu.memory_space<semaphore_mem>>)
      %dma_wait3A_376 = arith.constant 0 : i32
      %dma_wait3A_377 = tpu.memref_slice %arg3[%add3A, %dma_wait3A_376] : memref<32x4096xi32, #tpu.memory_space<hbm>> -> memref<1x4096xi32, #tpu.memory_space<hbm>>
      %dma_wait3A_378 = tpu.memref_squeeze %dma_wait3A_377 : memref<1x4096xi32, #tpu.memory_space<hbm>> -> memref<4096xi32, #tpu.memory_space<hbm>>
      %dma_wait3A_379 = arith.constant 0 : i32
      %dma_wait3A_380 = tpu.memref_slice %arg3[%add3A, %dma_wait3A_379] : memref<32x4096xi32, #tpu.memory_space<hbm>> -> memref<1x4096xi32, #tpu.memory_space<hbm>>
      %dma_wait3A_381 = tpu.memref_squeeze %dma_wait3A_380 : memref<1x4096xi32, #tpu.memory_space<hbm>> -> memref<4096xi32, #tpu.memory_space<hbm>>
      tpu.wait_dma2 semaphore(%run_scoped3A : memref<!tpu.dma_semaphore, #tpu.memory_space<semaphore_mem>>) src(%dma_wait3A_381 : memref<4096xi32, #tpu.memory_space<hbm>>) dst(%arg5 : memref<4096xi32, #tpu.memory_space<vmem>>)
      tpu.yield
    }) : () -> ()
    %mul3A_1 = arith.constant 0 : i32
    %mul3A_2 = arith.constant 4 : i32
    %mul3A_3 = arith.muli %mul3A_1, %mul3A_2 : i32
    %add3A_4 = arith.constant 0 : i32
    %add3A_5 = arith.addi %mul3A_3, %add3A_4 : i32
    %dma_start3A = arith.constant 0 : i32
    %dma_start3A_6 = tpu.memref_slice %arg2[%add3A, %add3A_5, %dma_start3A] : memref<32x256x4096xf32, #tpu.memory_space<hbm>> -> memref<1x1x4096xf32, #tpu.memory_space<hbm>>
    %dma_start3A_7 = tpu.memref_squeeze %dma_start3A_6 : memref<1x1x4096xf32, #tpu.memory_space<hbm>> -> memref<4096xf32, #tpu.memory_space<hbm>>
    %dma_start3A_8 = arith.constant 0 : i32
    %dma_start3A_9 = tpu.memref_slice %arg2[%add3A, %add3A_5, %dma_start3A_8] : memref<32x256x4096xf32, #tpu.memory_space<hbm>> -> memref<1x1x4096xf32, #tpu.memory_space<hbm>>
    %dma_start3A_10 = tpu.memref_squeeze %dma_start3A_9 : memref<1x1x4096xf32, #tpu.memory_space<hbm>> -> memref<4096xf32, #tpu.memory_space<hbm>>
    tpu.enqueue_dma source(%dma_start3A_10 : memref<4096xf32, #tpu.memory_space<hbm>>) target(%arg6 : memref<4096xf32, #tpu.memory_space<vmem>>) target_semaphore(%arg30 : memref<!tpu.dma_semaphore, #tpu.memory_space<semaphore_mem>>)
    %mul3A_11 = arith.constant 0 : i32
    %mul3A_12 = arith.constant 4 : i32
    %mul3A_13 = arith.muli %mul3A_11, %mul3A_12 : i32
    %add3A_14 = arith.constant 1 : i32
    %add3A_15 = arith.addi %mul3A_13, %add3A_14 : i32
    %dma_start3A_16 = arith.constant 0 : i32
    %dma_start3A_17 = tpu.memref_slice %arg2[%add3A, %add3A_15, %dma_start3A_16] : memref<32x256x4096xf32, #tpu.memory_space<hbm>> -> memref<1x1x4096xf32, #tpu.memory_space<hbm>>
    %dma_start3A_18 = tpu.memref_squeeze %dma_start3A_17 : memref<1x1x4096xf32, #tpu.memory_space<hbm>> -> memref<4096xf32, #tpu.memory_space<hbm>>
    %dma_start3A_19 = arith.constant 0 : i32
    %dma_start3A_20 = tpu.memref_slice %arg2[%add3A, %add3A_15, %dma_start3A_19] : memref<32x256x4096xf32, #tpu.memory_space<hbm>> -> memref<1x1x4096xf32, #tpu.memory_space<hbm>>
    %dma_start3A_21 = tpu.memref_squeeze %dma_start3A_20 : memref<1x1x4096xf32, #tpu.memory_space<hbm>> -> memref<4096xf32, #tpu.memory_space<hbm>>
    tpu.enqueue_dma source(%dma_start3A_21 : memref<4096xf32, #tpu.memory_space<hbm>>) target(%arg7 : memref<4096xf32, #tpu.memory_space<vmem>>) target_semaphore(%arg30 : memref<!tpu.dma_semaphore, #tpu.memory_space<semaphore_mem>>)
    %mul3A_22 = arith.constant 0 : i32
    %mul3A_23 = arith.constant 4 : i32
    %mul3A_24 = arith.muli %mul3A_22, %mul3A_23 : i32
    %add3A_25 = arith.constant 2 : i32
    %add3A_26 = arith.addi %mul3A_24, %add3A_25 : i32
    %dma_start3A_27 = arith.constant 0 : i32
    %dma_start3A_28 = tpu.memref_slice %arg2[%add3A, %add3A_26, %dma_start3A_27] : memref<32x256x4096xf32, #tpu.memory_space<hbm>> -> memref<1x1x4096xf32, #tpu.memory_space<hbm>>
    %dma_start3A_29 = tpu.memref_squeeze %dma_start3A_28 : memref<1x1x4096xf32, #tpu.memory_space<hbm>> -> memref<4096xf32, #tpu.memory_space<hbm>>
    %dma_start3A_30 = arith.constant 0 : i32
    %dma_start3A_31 = tpu.memref_slice %arg2[%add3A, %add3A_26, %dma_start3A_30] : memref<32x256x4096xf32, #tpu.memory_space<hbm>> -> memref<1x1x4096xf32, #tpu.memory_space<hbm>>
    %dma_start3A_32 = tpu.memref_squeeze %dma_start3A_31 : memref<1x1x4096xf32, #tpu.memory_space<hbm>> -> memref<4096xf32, #tpu.memory_space<hbm>>
    tpu.enqueue_dma source(%dma_start3A_32 : memref<4096xf32, #tpu.memory_space<hbm>>) target(%arg8 : memref<4096xf32, #tpu.memory_space<vmem>>) target_semaphore(%arg30 : memref<!tpu.dma_semaphore, #tpu.memory_space<semaphore_mem>>)
    %mul3A_33 = arith.constant 0 : i32
    %mul3A_34 = arith.constant 4 : i32
    %mul3A_35 = arith.muli %mul3A_33, %mul3A_34 : i32
    %add3A_36 = arith.constant 3 : i32
    %add3A_37 = arith.addi %mul3A_35, %add3A_36 : i32
    %dma_start3A_38 = arith.constant 0 : i32
    %dma_start3A_39 = tpu.memref_slice %arg2[%add3A, %add3A_37, %dma_start3A_38] : memref<32x256x4096xf32, #tpu.memory_space<hbm>> -> memref<1x1x4096xf32, #tpu.memory_space<hbm>>
    %dma_start3A_40 = tpu.memref_squeeze %dma_start3A_39 : memref<1x1x4096xf32, #tpu.memory_space<hbm>> -> memref<4096xf32, #tpu.memory_space<hbm>>
    %dma_start3A_41 = arith.constant 0 : i32
    %dma_start3A_42 = tpu.memref_slice %arg2[%add3A, %add3A_37, %dma_start3A_41] : memref<32x256x4096xf32, #tpu.memory_space<hbm>> -> memref<1x1x4096xf32, #tpu.memory_space<hbm>>
    %dma_start3A_43 = tpu.memref_squeeze %dma_start3A_42 : memref<1x1x4096xf32, #tpu.memory_space<hbm>> -> memref<4096xf32, #tpu.memory_space<hbm>>
    tpu.enqueue_dma source(%dma_start3A_43 : memref<4096xf32, #tpu.memory_space<hbm>>) target(%arg9 : memref<4096xf32, #tpu.memory_space<vmem>>) target_semaphore(%arg30 : memref<!tpu.dma_semaphore, #tpu.memory_space<semaphore_mem>>)
    %mul3A_44 = arith.constant 1 : i32
    %mul3A_45 = arith.constant 4 : i32
    %mul3A_46 = arith.muli %mul3A_44, %mul3A_45 : i32
    %add3A_47 = arith.constant 0 : i32
    %add3A_48 = arith.addi %mul3A_46, %add3A_47 : i32
    %dma_start3A_49 = arith.constant 0 : i32
    %dma_start3A_50 = tpu.memref_slice %arg2[%add3A, %add3A_48, %dma_start3A_49] : memref<32x256x4096xf32, #tpu.memory_space<hbm>> -> memref<1x1x4096xf32, #tpu.memory_space<hbm>>
    %dma_start3A_51 = tpu.memref_squeeze %dma_start3A_50 : memref<1x1x4096xf32, #tpu.memory_space<hbm>> -> memref<4096xf32, #tpu.memory_space<hbm>>
    %dma_start3A_52 = arith.constant 0 : i32
    %dma_start3A_53 = tpu.memref_slice %arg2[%add3A, %add3A_48, %dma_start3A_52] : memref<32x256x4096xf32, #tpu.memory_space<hbm>> -> memref<1x1x4096xf32, #tpu.memory_space<hbm>>
    %dma_start3A_54 = tpu.memref_squeeze %dma_start3A_53 : memref<1x1x4096xf32, #tpu.memory_space<hbm>> -> memref<4096xf32, #tpu.memory_space<hbm>>
    tpu.enqueue_dma source(%dma_start3A_54 : memref<4096xf32, #tpu.memory_space<hbm>>) target(%arg10 : memref<4096xf32, #tpu.memory_space<vmem>>) target_semaphore(%arg31 : memref<!tpu.dma_semaphore, #tpu.memory_space<semaphore_mem>>)
    %mul3A_55 = arith.constant 1 : i32
    %mul3A_56 = arith.constant 4 : i32
    %mul3A_57 = arith.muli %mul3A_55, %mul3A_56 : i32
    %add3A_58 = arith.constant 1 : i32
    %add3A_59 = arith.addi %mul3A_57, %add3A_58 : i32
    %dma_start3A_60 = arith.constant 0 : i32
    %dma_start3A_61 = tpu.memref_slice %arg2[%add3A, %add3A_59, %dma_start3A_60] : memref<32x256x4096xf32, #tpu.memory_space<hbm>> -> memref<1x1x4096xf32, #tpu.memory_space<hbm>>
    %dma_start3A_62 = tpu.memref_squeeze %dma_start3A_61 : memref<1x1x4096xf32, #tpu.memory_space<hbm>> -> memref<4096xf32, #tpu.memory_space<hbm>>
    %dma_start3A_63 = arith.constant 0 : i32
    %dma_start3A_64 = tpu.memref_slice %arg2[%add3A, %add3A_59, %dma_start3A_63] : memref<32x256x4096xf32, #tpu.memory_space<hbm>> -> memref<1x1x4096xf32, #tpu.memory_space<hbm>>
    %dma_start3A_65 = tpu.memref_squeeze %dma_start3A_64 : memref<1x1x4096xf32, #tpu.memory_space<hbm>> -> memref<4096xf32, #tpu.memory_space<hbm>>
    tpu.enqueue_dma source(%dma_start3A_65 : memref<4096xf32, #tpu.memory_space<hbm>>) target(%arg11 : memref<4096xf32, #tpu.memory_space<vmem>>) target_semaphore(%arg31 : memref<!tpu.dma_semaphore, #tpu.memory_space<semaphore_mem>>)
    %mul3A_66 = arith.constant 1 : i32
    %mul3A_67 = arith.constant 4 : i32
    %mul3A_68 = arith.muli %mul3A_66, %mul3A_67 : i32
    %add3A_69 = arith.constant 2 : i32
    %add3A_70 = arith.addi %mul3A_68, %add3A_69 : i32
    %dma_start3A_71 = arith.constant 0 : i32
    %dma_start3A_72 = tpu.memref_slice %arg2[%add3A, %add3A_70, %dma_start3A_71] : memref<32x256x4096xf32, #tpu.memory_space<hbm>> -> memref<1x1x4096xf32, #tpu.memory_space<hbm>>
    %dma_start3A_73 = tpu.memref_squeeze %dma_start3A_72 : memref<1x1x4096xf32, #tpu.memory_space<hbm>> -> memref<4096xf32, #tpu.memory_space<hbm>>
    %dma_start3A_74 = arith.constant 0 : i32
    %dma_start3A_75 = tpu.memref_slice %arg2[%add3A, %add3A_70, %dma_start3A_74] : memref<32x256x4096xf32, #tpu.memory_space<hbm>> -> memref<1x1x4096xf32, #tpu.memory_space<hbm>>
    %dma_start3A_76 = tpu.memref_squeeze %dma_start3A_75 : memref<1x1x4096xf32, #tpu.memory_space<hbm>> -> memref<4096xf32, #tpu.memory_space<hbm>>
    tpu.enqueue_dma source(%dma_start3A_76 : memref<4096xf32, #tpu.memory_space<hbm>>) target(%arg12 : memref<4096xf32, #tpu.memory_space<vmem>>) target_semaphore(%arg31 : memref<!tpu.dma_semaphore, #tpu.memory_space<semaphore_mem>>)
    %mul3A_77 = arith.constant 1 : i32
    %mul3A_78 = arith.constant 4 : i32
    %mul3A_79 = arith.muli %mul3A_77, %mul3A_78 : i32
    %add3A_80 = arith.constant 3 : i32
    %add3A_81 = arith.addi %mul3A_79, %add3A_80 : i32
    %dma_start3A_82 = arith.constant 0 : i32
    %dma_start3A_83 = tpu.memref_slice %arg2[%add3A, %add3A_81, %dma_start3A_82] : memref<32x256x4096xf32, #tpu.memory_space<hbm>> -> memref<1x1x4096xf32, #tpu.memory_space<hbm>>
    %dma_start3A_84 = tpu.memref_squeeze %dma_start3A_83 : memref<1x1x4096xf32, #tpu.memory_space<hbm>> -> memref<4096xf32, #tpu.memory_space<hbm>>
    %dma_start3A_85 = arith.constant 0 : i32
    %dma_start3A_86 = tpu.memref_slice %arg2[%add3A, %add3A_81, %dma_start3A_85] : memref<32x256x4096xf32, #tpu.memory_space<hbm>> -> memref<1x1x4096xf32, #tpu.memory_space<hbm>>
    %dma_start3A_87 = tpu.memref_squeeze %dma_start3A_86 : memref<1x1x4096xf32, #tpu.memory_space<hbm>> -> memref<4096xf32, #tpu.memory_space<hbm>>
    tpu.enqueue_dma source(%dma_start3A_87 : memref<4096xf32, #tpu.memory_space<hbm>>) target(%arg13 : memref<4096xf32, #tpu.memory_space<vmem>>) target_semaphore(%arg31 : memref<!tpu.dma_semaphore, #tpu.memory_space<semaphore_mem>>)
    %mul3A_88 = arith.constant 2 : i32
    %mul3A_89 = arith.constant 4 : i32
    %mul3A_90 = arith.muli %mul3A_88, %mul3A_89 : i32
    %add3A_91 = arith.constant 0 : i32
    %add3A_92 = arith.addi %mul3A_90, %add3A_91 : i32
    %dma_start3A_93 = arith.constant 0 : i32
    %dma_start3A_94 = tpu.memref_slice %arg2[%add3A, %add3A_92, %dma_start3A_93] : memref<32x256x4096xf32, #tpu.memory_space<hbm>> -> memref<1x1x4096xf32, #tpu.memory_space<hbm>>
    %dma_start3A_95 = tpu.memref_squeeze %dma_start3A_94 : memref<1x1x4096xf32, #tpu.memory_space<hbm>> -> memref<4096xf32, #tpu.memory_space<hbm>>
    %dma_start3A_96 = arith.constant 0 : i32
    %dma_start3A_97 = tpu.memref_slice %arg2[%add3A, %add3A_92, %dma_start3A_96] : memref<32x256x4096xf32, #tpu.memory_space<hbm>> -> memref<1x1x4096xf32, #tpu.memory_space<hbm>>
    %dma_start3A_98 = tpu.memref_squeeze %dma_start3A_97 : memref<1x1x4096xf32, #tpu.memory_space<hbm>> -> memref<4096xf32, #tpu.memory_space<hbm>>
    tpu.enqueue_dma source(%dma_start3A_98 : memref<4096xf32, #tpu.memory_space<hbm>>) target(%arg14 : memref<4096xf32, #tpu.memory_space<vmem>>) target_semaphore(%arg32 : memref<!tpu.dma_semaphore, #tpu.memory_space<semaphore_mem>>)
    %mul3A_99 = arith.constant 2 : i32
    %mul3A_100 = arith.constant 4 : i32
    %mul3A_101 = arith.muli %mul3A_99, %mul3A_100 : i32
    %add3A_102 = arith.constant 1 : i32
    %add3A_103 = arith.addi %mul3A_101, %add3A_102 : i32
    %dma_start3A_104 = arith.constant 0 : i32
    %dma_start3A_105 = tpu.memref_slice %arg2[%add3A, %add3A_103, %dma_start3A_104] : memref<32x256x4096xf32, #tpu.memory_space<hbm>> -> memref<1x1x4096xf32, #tpu.memory_space<hbm>>
    %dma_start3A_106 = tpu.memref_squeeze %dma_start3A_105 : memref<1x1x4096xf32, #tpu.memory_space<hbm>> -> memref<4096xf32, #tpu.memory_space<hbm>>
    %dma_start3A_107 = arith.constant 0 : i32
    %dma_start3A_108 = tpu.memref_slice %arg2[%add3A, %add3A_103, %dma_start3A_107] : memref<32x256x4096xf32, #tpu.memory_space<hbm>> -> memref<1x1x4096xf32, #tpu.memory_space<hbm>>
    %dma_start3A_109 = tpu.memref_squeeze %dma_start3A_108 : memref<1x1x4096xf32, #tpu.memory_space<hbm>> -> memref<4096xf32, #tpu.memory_space<hbm>>
    tpu.enqueue_dma source(%dma_start3A_109 : memref<4096xf32, #tpu.memory_space<hbm>>) target(%arg15 : memref<4096xf32, #tpu.memory_space<vmem>>) target_semaphore(%arg32 : memref<!tpu.dma_semaphore, #tpu.memory_space<semaphore_mem>>)
    %mul3A_110 = arith.constant 2 : i32
    %mul3A_111 = arith.constant 4 : i32
    %mul3A_112 = arith.muli %mul3A_110, %mul3A_111 : i32
    %add3A_113 = arith.constant 2 : i32
    %add3A_114 = arith.addi %mul3A_112, %add3A_113 : i32
    %dma_start3A_115 = arith.constant 0 : i32
    %dma_start3A_116 = tpu.memref_slice %arg2[%add3A, %add3A_114, %dma_start3A_115] : memref<32x256x4096xf32, #tpu.memory_space<hbm>> -> memref<1x1x4096xf32, #tpu.memory_space<hbm>>
    %dma_start3A_117 = tpu.memref_squeeze %dma_start3A_116 : memref<1x1x4096xf32, #tpu.memory_space<hbm>> -> memref<4096xf32, #tpu.memory_space<hbm>>
    %dma_start3A_118 = arith.constant 0 : i32
    %dma_start3A_119 = tpu.memref_slice %arg2[%add3A, %add3A_114, %dma_start3A_118] : memref<32x256x4096xf32, #tpu.memory_space<hbm>> -> memref<1x1x4096xf32, #tpu.memory_space<hbm>>
    %dma_start3A_120 = tpu.memref_squeeze %dma_start3A_119 : memref<1x1x4096xf32, #tpu.memory_space<hbm>> -> memref<4096xf32, #tpu.memory_space<hbm>>
    tpu.enqueue_dma source(%dma_start3A_120 : memref<4096xf32, #tpu.memory_space<hbm>>) target(%arg16 : memref<4096xf32, #tpu.memory_space<vmem>>) target_semaphore(%arg32 : memref<!tpu.dma_semaphore, #tpu.memory_space<semaphore_mem>>)
    %mul3A_121 = arith.constant 2 : i32
    %mul3A_122 = arith.constant 4 : i32
    %mul3A_123 = arith.muli %mul3A_121, %mul3A_122 : i32
    %add3A_124 = arith.constant 3 : i32
    %add3A_125 = arith.addi %mul3A_123, %add3A_124 : i32
    %dma_start3A_126 = arith.constant 0 : i32
    %dma_start3A_127 = tpu.memref_slice %arg2[%add3A, %add3A_125, %dma_start3A_126] : memref<32x256x4096xf32, #tpu.memory_space<hbm>> -> memref<1x1x4096xf32, #tpu.memory_space<hbm>>
    %dma_start3A_128 = tpu.memref_squeeze %dma_start3A_127 : memref<1x1x4096xf32, #tpu.memory_space<hbm>> -> memref<4096xf32, #tpu.memory_space<hbm>>
    %dma_start3A_129 = arith.constant 0 : i32
    %dma_start3A_130 = tpu.memref_slice %arg2[%add3A, %add3A_125, %dma_start3A_129] : memref<32x256x4096xf32, #tpu.memory_space<hbm>> -> memref<1x1x4096xf32, #tpu.memory_space<hbm>>
    %dma_start3A_131 = tpu.memref_squeeze %dma_start3A_130 : memref<1x1x4096xf32, #tpu.memory_space<hbm>> -> memref<4096xf32, #tpu.memory_space<hbm>>
    tpu.enqueue_dma source(%dma_start3A_131 : memref<4096xf32, #tpu.memory_space<hbm>>) target(%arg17 : memref<4096xf32, #tpu.memory_space<vmem>>) target_semaphore(%arg32 : memref<!tpu.dma_semaphore, #tpu.memory_space<semaphore_mem>>)
    %scan3A = arith.constant 0 : i32
    %scan3A_132 = arith.constant 0 : i32
    %scan3A_133 = arith.constant 21 : i32
    %scan3A_134 = arith.addi %scan3A_132, %scan3A_133 : i32
    %scan3A_135 = arith.constant 1 : i32
    scf.for %scan3A_370 = %scan3A_132 to %scan3A_134 step %scan3A_135  : i32 {
      %mul3A_371 = arith.constant 3 : i32
      %mul3A_372 = arith.muli %scan3A_370, %mul3A_371 : i32
      %add3A_373 = arith.constant 0 : i32
      %add3A_374 = arith.addi %mul3A_372, %add3A_373 : i32
      %mul3A_375 = arith.constant 4 : i32
      %mul3A_376 = arith.muli %add3A_374, %mul3A_375 : i32
      %add3A_377 = arith.constant 0 : i32
      %add3A_378 = arith.addi %mul3A_376, %add3A_377 : i32
      %dma_wait3A_379 = arith.constant 0 : i32
      %dma_wait3A_380 = tpu.memref_slice %arg2[%add3A, %add3A_378, %dma_wait3A_379] : memref<32x256x4096xf32, #tpu.memory_space<hbm>> -> memref<1x1x4096xf32, #tpu.memory_space<hbm>>
      %dma_wait3A_381 = tpu.memref_squeeze %dma_wait3A_380 : memref<1x1x4096xf32, #tpu.memory_space<hbm>> -> memref<4096xf32, #tpu.memory_space<hbm>>
      %dma_wait3A_382 = arith.constant 0 : i32
      %dma_wait3A_383 = tpu.memref_slice %arg2[%add3A, %add3A_378, %dma_wait3A_382] : memref<32x256x4096xf32, #tpu.memory_space<hbm>> -> memref<1x1x4096xf32, #tpu.memory_space<hbm>>
      %dma_wait3A_384 = tpu.memref_squeeze %dma_wait3A_383 : memref<1x1x4096xf32, #tpu.memory_space<hbm>> -> memref<4096xf32, #tpu.memory_space<hbm>>
      tpu.wait_dma2 semaphore(%arg30 : memref<!tpu.dma_semaphore, #tpu.memory_space<semaphore_mem>>) src(%dma_wait3A_384 : memref<4096xf32, #tpu.memory_space<hbm>>) dst(%arg6 : memref<4096xf32, #tpu.memory_space<vmem>>)
      %mul3A_385 = arith.constant 4 : i32
      %mul3A_386 = arith.muli %add3A_374, %mul3A_385 : i32
      %add3A_387 = arith.constant 1 : i32
      %add3A_388 = arith.addi %mul3A_386, %add3A_387 : i32
      %dma_wait3A_389 = arith.constant 0 : i32
      %dma_wait3A_390 = tpu.memref_slice %arg2[%add3A, %add3A_388, %dma_wait3A_389] : memref<32x256x4096xf32, #tpu.memory_space<hbm>> -> memref<1x1x4096xf32, #tpu.memory_space<hbm>>
      %dma_wait3A_391 = tpu.memref_squeeze %dma_wait3A_390 : memref<1x1x4096xf32, #tpu.memory_space<hbm>> -> memref<4096xf32, #tpu.memory_space<hbm>>
      %dma_wait3A_392 = arith.constant 0 : i32
      %dma_wait3A_393 = tpu.memref_slice %arg2[%add3A, %add3A_388, %dma_wait3A_392] : memref<32x256x4096xf32, #tpu.memory_space<hbm>> -> memref<1x1x4096xf32, #tpu.memory_space<hbm>>
      %dma_wait3A_394 = tpu.memref_squeeze %dma_wait3A_393 : memref<1x1x4096xf32, #tpu.memory_space<hbm>> -> memref<4096xf32, #tpu.memory_space<hbm>>
      tpu.wait_dma2 semaphore(%arg30 : memref<!tpu.dma_semaphore, #tpu.memory_space<semaphore_mem>>) src(%dma_wait3A_394 : memref<4096xf32, #tpu.memory_space<hbm>>) dst(%arg7 : memref<4096xf32, #tpu.memory_space<vmem>>)
      %mul3A_395 = arith.constant 4 : i32
      %mul3A_396 = arith.muli %add3A_374, %mul3A_395 : i32
      %add3A_397 = arith.constant 2 : i32
      %add3A_398 = arith.addi %mul3A_396, %add3A_397 : i32
      %dma_wait3A_399 = arith.constant 0 : i32
      %dma_wait3A_400 = tpu.memref_slice %arg2[%add3A, %add3A_398, %dma_wait3A_399] : memref<32x256x4096xf32, #tpu.memory_space<hbm>> -> memref<1x1x4096xf32, #tpu.memory_space<hbm>>
      %dma_wait3A_401 = tpu.memref_squeeze %dma_wait3A_400 : memref<1x1x4096xf32, #tpu.memory_space<hbm>> -> memref<4096xf32, #tpu.memory_space<hbm>>
      %dma_wait3A_402 = arith.constant 0 : i32
      %dma_wait3A_403 = tpu.memref_slice %arg2[%add3A, %add3A_398, %dma_wait3A_402] : memref<32x256x4096xf32, #tpu.memory_space<hbm>> -> memref<1x1x4096xf32, #tpu.memory_space<hbm>>
      %dma_wait3A_404 = tpu.memref_squeeze %dma_wait3A_403 : memref<1x1x4096xf32, #tpu.memory_space<hbm>> -> memref<4096xf32, #tpu.memory_space<hbm>>
      tpu.wait_dma2 semaphore(%arg30 : memref<!tpu.dma_semaphore, #tpu.memory_space<semaphore_mem>>) src(%dma_wait3A_404 : memref<4096xf32, #tpu.memory_space<hbm>>) dst(%arg8 : memref<4096xf32, #tpu.memory_space<vmem>>)
      %mul3A_405 = arith.constant 4 : i32
      %mul3A_406 = arith.muli %add3A_374, %mul3A_405 : i32
      %add3A_407 = arith.constant 3 : i32
      %add3A_408 = arith.addi %mul3A_406, %add3A_407 : i32
      %dma_wait3A_409 = arith.constant 0 : i32
      %dma_wait3A_410 = tpu.memref_slice %arg2[%add3A, %add3A_408, %dma_wait3A_409] : memref<32x256x4096xf32, #tpu.memory_space<hbm>> -> memref<1x1x4096xf32, #tpu.memory_space<hbm>>
      %dma_wait3A_411 = tpu.memref_squeeze %dma_wait3A_410 : memref<1x1x4096xf32, #tpu.memory_space<hbm>> -> memref<4096xf32, #tpu.memory_space<hbm>>
      %dma_wait3A_412 = arith.constant 0 : i32
      %dma_wait3A_413 = tpu.memref_slice %arg2[%add3A, %add3A_408, %dma_wait3A_412] : memref<32x256x4096xf32, #tpu.memory_space<hbm>> -> memref<1x1x4096xf32, #tpu.memory_space<hbm>>
      %dma_wait3A_414 = tpu.memref_squeeze %dma_wait3A_413 : memref<1x1x4096xf32, #tpu.memory_space<hbm>> -> memref<4096xf32, #tpu.memory_space<hbm>>
      tpu.wait_dma2 semaphore(%arg30 : memref<!tpu.dma_semaphore, #tpu.memory_space<semaphore_mem>>) src(%dma_wait3A_414 : memref<4096xf32, #tpu.memory_space<hbm>>) dst(%arg9 : memref<4096xf32, #tpu.memory_space<vmem>>)
      %ge3A_415 = arith.constant 3 : i32
      %ge3A_416 = arith.cmpi sge, %add3A_374, %ge3A_415 : i32
      %convert_element_type3A_417 = arith.extui %ge3A_416 : i1 to i32
      %cond3A_418 = arith.constant 0 : i32
      %cond3A_419 = arith.cmpi ne, %convert_element_type3A_417, %cond3A_418 : i32
      scf.if %cond3A_419 {
        %sub3A = arith.constant 3 : i32
        %sub3A_668 = arith.subi %add3A_374, %sub3A : i32
        %mul3A_669 = arith.constant 4 : i32
        %mul3A_670 = arith.muli %sub3A_668, %mul3A_669 : i32
        %add3A_671 = arith.constant 0 : i32
        %add3A_672 = arith.addi %mul3A_670, %add3A_671 : i32
        %dma_wait3A_673 = arith.constant 0 : i32
        %dma_wait3A_674 = tpu.memref_slice %arg4[%add3A, %add3A_672, %dma_wait3A_673] : memref<32x256x4096xf32, #tpu.memory_space<hbm>> -> memref<1x1x4096xf32, #tpu.memory_space<hbm>>
        %dma_wait3A_675 = tpu.memref_squeeze %dma_wait3A_674 : memref<1x1x4096xf32, #tpu.memory_space<hbm>> -> memref<4096xf32, #tpu.memory_space<hbm>>
        %dma_wait3A_676 = arith.constant 0 : i32
        %dma_wait3A_677 = tpu.memref_slice %arg4[%add3A, %add3A_672, %dma_wait3A_676] : memref<32x256x4096xf32, #tpu.memory_space<hbm>> -> memref<1x1x4096xf32, #tpu.memory_space<hbm>>
        %dma_wait3A_678 = tpu.memref_squeeze %dma_wait3A_677 : memref<1x1x4096xf32, #tpu.memory_space<hbm>> -> memref<4096xf32, #tpu.memory_space<hbm>>
        tpu.wait_dma2 semaphore(%arg33 : memref<!tpu.dma_semaphore, #tpu.memory_space<semaphore_mem>>) src(%arg18 : memref<4096xf32, #tpu.memory_space<vmem>>) dst(%dma_wait3A_678 : memref<4096xf32, #tpu.memory_space<hbm>>)
        %sub3A_679 = arith.constant 3 : i32
        %sub3A_680 = arith.subi %add3A_374, %sub3A_679 : i32
        %mul3A_681 = arith.constant 4 : i32
        %mul3A_682 = arith.muli %sub3A_680, %mul3A_681 : i32
        %add3A_683 = arith.constant 1 : i32
        %add3A_684 = arith.addi %mul3A_682, %add3A_683 : i32
        %dma_wait3A_685 = arith.constant 0 : i32
        %dma_wait3A_686 = tpu.memref_slice %arg4[%add3A, %add3A_684, %dma_wait3A_685] : memref<32x256x4096xf32, #tpu.memory_space<hbm>> -> memref<1x1x4096xf32, #tpu.memory_space<hbm>>
        %dma_wait3A_687 = tpu.memref_squeeze %dma_wait3A_686 : memref<1x1x4096xf32, #tpu.memory_space<hbm>> -> memref<4096xf32, #tpu.memory_space<hbm>>
        %dma_wait3A_688 = arith.constant 0 : i32
        %dma_wait3A_689 = tpu.memref_slice %arg4[%add3A, %add3A_684, %dma_wait3A_688] : memref<32x256x4096xf32, #tpu.memory_space<hbm>> -> memref<1x1x4096xf32, #tpu.memory_space<hbm>>
        %dma_wait3A_690 = tpu.memref_squeeze %dma_wait3A_689 : memref<1x1x4096xf32, #tpu.memory_space<hbm>> -> memref<4096xf32, #tpu.memory_space<hbm>>
        tpu.wait_dma2 semaphore(%arg33 : memref<!tpu.dma_semaphore, #tpu.memory_space<semaphore_mem>>) src(%arg19 : memref<4096xf32, #tpu.memory_space<vmem>>) dst(%dma_wait3A_690 : memref<4096xf32, #tpu.memory_space<hbm>>)
        %sub3A_691 = arith.constant 3 : i32
        %sub3A_692 = arith.subi %add3A_374, %sub3A_691 : i32
        %mul3A_693 = arith.constant 4 : i32
        %mul3A_694 = arith.muli %sub3A_692, %mul3A_693 : i32
        %add3A_695 = arith.constant 2 : i32
        %add3A_696 = arith.addi %mul3A_694, %add3A_695 : i32
        %dma_wait3A_697 = arith.constant 0 : i32
        %dma_wait3A_698 = tpu.memref_slice %arg4[%add3A, %add3A_696, %dma_wait3A_697] : memref<32x256x4096xf32, #tpu.memory_space<hbm>> -> memref<1x1x4096xf32, #tpu.memory_space<hbm>>
        %dma_wait3A_699 = tpu.memref_squeeze %dma_wait3A_698 : memref<1x1x4096xf32, #tpu.memory_space<hbm>> -> memref<4096xf32, #tpu.memory_space<hbm>>
        %dma_wait3A_700 = arith.constant 0 : i32
        %dma_wait3A_701 = tpu.memref_slice %arg4[%add3A, %add3A_696, %dma_wait3A_700] : memref<32x256x4096xf32, #tpu.memory_space<hbm>> -> memref<1x1x4096xf32, #tpu.memory_space<hbm>>
        %dma_wait3A_702 = tpu.memref_squeeze %dma_wait3A_701 : memref<1x1x4096xf32, #tpu.memory_space<hbm>> -> memref<4096xf32, #tpu.memory_space<hbm>>
        tpu.wait_dma2 semaphore(%arg33 : memref<!tpu.dma_semaphore, #tpu.memory_space<semaphore_mem>>) src(%arg20 : memref<4096xf32, #tpu.memory_space<vmem>>) dst(%dma_wait3A_702 : memref<4096xf32, #tpu.memory_space<hbm>>)
        %sub3A_703 = arith.constant 3 : i32
        %sub3A_704 = arith.subi %add3A_374, %sub3A_703 : i32
        %mul3A_705 = arith.constant 4 : i32
        %mul3A_706 = arith.muli %sub3A_704, %mul3A_705 : i32
        %add3A_707 = arith.constant 3 : i32
        %add3A_708 = arith.addi %mul3A_706, %add3A_707 : i32
        %dma_wait3A_709 = arith.constant 0 : i32
        %dma_wait3A_710 = tpu.memref_slice %arg4[%add3A, %add3A_708, %dma_wait3A_709] : memref<32x256x4096xf32, #tpu.memory_space<hbm>> -> memref<1x1x4096xf32, #tpu.memory_space<hbm>>
        %dma_wait3A_711 = tpu.memref_squeeze %dma_wait3A_710 : memref<1x1x4096xf32, #tpu.memory_space<hbm>> -> memref<4096xf32, #tpu.memory_space<hbm>>
        %dma_wait3A_712 = arith.constant 0 : i32
        %dma_wait3A_713 = tpu.memref_slice %arg4[%add3A, %add3A_708, %dma_wait3A_712] : memref<32x256x4096xf32, #tpu.memory_space<hbm>> -> memref<1x1x4096xf32, #tpu.memory_space<hbm>>
        %dma_wait3A_714 = tpu.memref_squeeze %dma_wait3A_713 : memref<1x1x4096xf32, #tpu.memory_space<hbm>> -> memref<4096xf32, #tpu.memory_space<hbm>>
        tpu.wait_dma2 semaphore(%arg33 : memref<!tpu.dma_semaphore, #tpu.memory_space<semaphore_mem>>) src(%arg21 : memref<4096xf32, #tpu.memory_space<vmem>>) dst(%dma_wait3A_714 : memref<4096xf32, #tpu.memory_space<hbm>>)
      } else {
      }
      %parallel_loop3A_420 = arith.constant 0 : i32
      %parallel_loop3A_421 = arith.constant 4096 : i32
      %parallel_loop3A_422 = arith.constant 16 : i32
      scf.for %parallel_loop3A_668 = %parallel_loop3A_420 to %parallel_loop3A_421 step %parallel_loop3A_422  : i32 {
        %parallel_loop3A_669 = arith.index_cast %parallel_loop3A_668 : i32 to index
        %parallel_loop3A_670 = tpu.vector_load %arg5[%parallel_loop3A_669] {strides = array<i32>} : memref<4096xi32, #tpu.memory_space<vmem>>, vector<16xi32>,
        %parallel_loop3A_671 = tpu.vector_load_idx %arg6[%parallel_loop3A_670] : memref<4096xf32, #tpu.memory_space<vmem>>[vector<16xi32>], vector<16xf32>,
        %parallel_loop3A_672 = arith.index_cast %parallel_loop3A_668 : i32 to index
        %parallel_loop3A_673 = tpu.vector_load %arg18[%parallel_loop3A_672] {strides = array<i32>} : memref<4096xf32, #tpu.memory_space<vmem>>, vector<16xf32>,
        tpu.vector_store %arg18[%parallel_loop3A_672], %parallel_loop3A_671 {strides = array<i32>} : memref<4096xf32, #tpu.memory_space<vmem>>, vector<16xf32>,
        %parallel_loop3A_674 = tpu.vector_load_idx %arg7[%parallel_loop3A_670] : memref<4096xf32, #tpu.memory_space<vmem>>[vector<16xi32>], vector<16xf32>,
        %parallel_loop3A_675 = arith.index_cast %parallel_loop3A_668 : i32 to index
        %parallel_loop3A_676 = tpu.vector_load %arg19[%parallel_loop3A_675] {strides = array<i32>} : memref<4096xf32, #tpu.memory_space<vmem>>, vector<16xf32>,
        tpu.vector_store %arg19[%parallel_loop3A_675], %parallel_loop3A_674 {strides = array<i32>} : memref<4096xf32, #tpu.memory_space<vmem>>, vector<16xf32>,
        %parallel_loop3A_677 = tpu.vector_load_idx %arg8[%parallel_loop3A_670] : memref<4096xf32, #tpu.memory_space<vmem>>[vector<16xi32>], vector<16xf32>,
        %parallel_loop3A_678 = arith.index_cast %parallel_loop3A_668 : i32 to index
        %parallel_loop3A_679 = tpu.vector_load %arg20[%parallel_loop3A_678] {strides = array<i32>} : memref<4096xf32, #tpu.memory_space<vmem>>, vector<16xf32>,
        tpu.vector_store %arg20[%parallel_loop3A_678], %parallel_loop3A_677 {strides = array<i32>} : memref<4096xf32, #tpu.memory_space<vmem>>, vector<16xf32>,
        %parallel_loop3A_680 = tpu.vector_load_idx %arg9[%parallel_loop3A_670] : memref<4096xf32, #tpu.memory_space<vmem>>[vector<16xi32>], vector<16xf32>,
        %parallel_loop3A_681 = arith.index_cast %parallel_loop3A_668 : i32 to index
        %parallel_loop3A_682 = tpu.vector_load %arg21[%parallel_loop3A_681] {strides = array<i32>} : memref<4096xf32, #tpu.memory_space<vmem>>, vector<16xf32>,
        tpu.vector_store %arg21[%parallel_loop3A_681], %parallel_loop3A_680 {strides = array<i32>} : memref<4096xf32, #tpu.memory_space<vmem>>, vector<16xf32>,
      } {sc.loop_unroll_factor = 4 : i64, sc.parallel_access}
      %mul3A_423 = arith.constant 4 : i32
      %mul3A_424 = arith.muli %add3A_374, %mul3A_423 : i32
      %add3A_425 = arith.constant 0 : i32
      %add3A_426 = arith.addi %mul3A_424, %add3A_425 : i32
      %dma_start3A_427 = arith.constant 0 : i32
      %dma_start3A_428 = tpu.memref_slice %arg4[%add3A, %add3A_426, %dma_start3A_427] : memref<32x256x4096xf32, #tpu.memory_space<hbm>> -> memref<1x1x4096xf32, #tpu.memory_space<hbm>>
      %dma_start3A_429 = tpu.memref_squeeze %dma_start3A_428 : memref<1x1x4096xf32, #tpu.memory_space<hbm>> -> memref<4096xf32, #tpu.memory_space<hbm>>
      %dma_start3A_430 = arith.constant 0 : i32
      %dma_start3A_431 = tpu.memref_slice %arg4[%add3A, %add3A_426, %dma_start3A_430] : memref<32x256x4096xf32, #tpu.memory_space<hbm>> -> memref<1x1x4096xf32, #tpu.memory_space<hbm>>
      %dma_start3A_432 = tpu.memref_squeeze %dma_start3A_431 : memref<1x1x4096xf32, #tpu.memory_space<hbm>> -> memref<4096xf32, #tpu.memory_space<hbm>>
      tpu.enqueue_dma source(%arg18 : memref<4096xf32, #tpu.memory_space<vmem>>) target(%dma_start3A_432 : memref<4096xf32, #tpu.memory_space<hbm>>) target_semaphore(%arg33 : memref<!tpu.dma_semaphore, #tpu.memory_space<semaphore_mem>>)
      %mul3A_433 = arith.constant 4 : i32
      %mul3A_434 = arith.muli %add3A_374, %mul3A_433 : i32
      %add3A_435 = arith.constant 1 : i32
      %add3A_436 = arith.addi %mul3A_434, %add3A_435 : i32
      %dma_start3A_437 = arith.constant 0 : i32
      %dma_start3A_438 = tpu.memref_slice %arg4[%add3A, %add3A_436, %dma_start3A_437] : memref<32x256x4096xf32, #tpu.memory_space<hbm>> -> memref<1x1x4096xf32, #tpu.memory_space<hbm>>
      %dma_start3A_439 = tpu.memref_squeeze %dma_start3A_438 : memref<1x1x4096xf32, #tpu.memory_space<hbm>> -> memref<4096xf32, #tpu.memory_space<hbm>>
      %dma_start3A_440 = arith.constant 0 : i32
      %dma_start3A_441 = tpu.memref_slice %arg4[%add3A, %add3A_436, %dma_start3A_440] : memref<32x256x4096xf32, #tpu.memory_space<hbm>> -> memref<1x1x4096xf32, #tpu.memory_space<hbm>>
      %dma_start3A_442 = tpu.memref_squeeze %dma_start3A_441 : memref<1x1x4096xf32, #tpu.memory_space<hbm>> -> memref<4096xf32, #tpu.memory_space<hbm>>
      tpu.enqueue_dma source(%arg19 : memref<4096xf32, #tpu.memory_space<vmem>>) target(%dma_start3A_442 : memref<4096xf32, #tpu.memory_space<hbm>>) target_semaphore(%arg33 : memref<!tpu.dma_semaphore, #tpu.memory_space<semaphore_mem>>)
      %mul3A_443 = arith.constant 4 : i32
      %mul3A_444 = arith.muli %add3A_374, %mul3A_443 : i32
      %add3A_445 = arith.constant 2 : i32
      %add3A_446 = arith.addi %mul3A_444, %add3A_445 : i32
      %dma_start3A_447 = arith.constant 0 : i32
      %dma_start3A_448 = tpu.memref_slice %arg4[%add3A, %add3A_446, %dma_start3A_447] : memref<32x256x4096xf32, #tpu.memory_space<hbm>> -> memref<1x1x4096xf32, #tpu.memory_space<hbm>>
      %dma_start3A_449 = tpu.memref_squeeze %dma_start3A_448 : memref<1x1x4096xf32, #tpu.memory_space<hbm>> -> memref<4096xf32, #tpu.memory_space<hbm>>
      %dma_start3A_450 = arith.constant 0 : i32
      %dma_start3A_451 = tpu.memref_slice %arg4[%add3A, %add3A_446, %dma_start3A_450] : memref<32x256x4096xf32, #tpu.memory_space<hbm>> -> memref<1x1x4096xf32, #tpu.memory_space<hbm>>
      %dma_start3A_452 = tpu.memref_squeeze %dma_start3A_451 : memref<1x1x4096xf32, #tpu.memory_space<hbm>> -> memref<4096xf32, #tpu.memory_space<hbm>>
      tpu.enqueue_dma source(%arg20 : memref<4096xf32, #tpu.memory_space<vmem>>) target(%dma_start3A_452 : memref<4096xf32, #tpu.memory_space<hbm>>) target_semaphore(%arg33 : memref<!tpu.dma_semaphore, #tpu.memory_space<semaphore_mem>>)
      %mul3A_453 = arith.constant 4 : i32
      %mul3A_454 = arith.muli %add3A_374, %mul3A_453 : i32
      %add3A_455 = arith.constant 3 : i32
      %add3A_456 = arith.addi %mul3A_454, %add3A_455 : i32
      %dma_start3A_457 = arith.constant 0 : i32
      %dma_start3A_458 = tpu.memref_slice %arg4[%add3A, %add3A_456, %dma_start3A_457] : memref<32x256x4096xf32, #tpu.memory_space<hbm>> -> memref<1x1x4096xf32, #tpu.memory_space<hbm>>
      %dma_start3A_459 = tpu.memref_squeeze %dma_start3A_458 : memref<1x1x4096xf32, #tpu.memory_space<hbm>> -> memref<4096xf32, #tpu.memory_space<hbm>>
      %dma_start3A_460 = arith.constant 0 : i32
      %dma_start3A_461 = tpu.memref_slice %arg4[%add3A, %add3A_456, %dma_start3A_460] : memref<32x256x4096xf32, #tpu.memory_space<hbm>> -> memref<1x1x4096xf32, #tpu.memory_space<hbm>>
      %dma_start3A_462 = tpu.memref_squeeze %dma_start3A_461 : memref<1x1x4096xf32, #tpu.memory_space<hbm>> -> memref<4096xf32, #tpu.memory_space<hbm>>
      tpu.enqueue_dma source(%arg21 : memref<4096xf32, #tpu.memory_space<vmem>>) target(%dma_start3A_462 : memref<4096xf32, #tpu.memory_space<hbm>>) target_semaphore(%arg33 : memref<!tpu.dma_semaphore, #tpu.memory_space<semaphore_mem>>)
      %add3A_463 = arith.constant 3 : i32
      %add3A_464 = arith.addi %add3A_374, %add3A_463 : i32
      %lt3A_465 = arith.constant 64 : i32
      %lt3A_466 = arith.cmpi slt, %add3A_464, %lt3A_465 : i32
      %convert_element_type3A_467 = arith.extui %lt3A_466 : i1 to i32
      %cond3A_468 = arith.constant 0 : i32
      %cond3A_469 = arith.cmpi ne, %convert_element_type3A_467, %cond3A_468 : i32
      scf.if %cond3A_469 {
        %add3A_668 = arith.constant 3 : i32
        %add3A_669 = arith.addi %add3A_374, %add3A_668 : i32
        %mul3A_670 = arith.constant 4 : i32
        %mul3A_671 = arith.muli %add3A_669, %mul3A_670 : i32
        %add3A_672 = arith.constant 0 : i32
        %add3A_673 = arith.addi %mul3A_671, %add3A_672 : i32
        %dma_start3A_674 = arith.constant 0 : i32
        %dma_start3A_675 = tpu.memref_slice %arg2[%add3A, %add3A_673, %dma_start3A_674] : memref<32x256x4096xf32, #tpu.memory_space<hbm>> -> memref<1x1x4096xf32, #tpu.memory_space<hbm>>
        %dma_start3A_676 = tpu.memref_squeeze %dma_start3A_675 : memref<1x1x4096xf32, #tpu.memory_space<hbm>> -> memref<4096xf32, #tpu.memory_space<hbm>>
        %dma_start3A_677 = arith.constant 0 : i32
        %dma_start3A_678 = tpu.memref_slice %arg2[%add3A, %add3A_673, %dma_start3A_677] : memref<32x256x4096xf32, #tpu.memory_space<hbm>> -> memref<1x1x4096xf32, #tpu.memory_space<hbm>>
        %dma_start3A_679 = tpu.memref_squeeze %dma_start3A_678 : memref<1x1x4096xf32, #tpu.memory_space<hbm>> -> memref<4096xf32, #tpu.memory_space<hbm>>
        tpu.enqueue_dma source(%dma_start3A_679 : memref<4096xf32, #tpu.memory_space<hbm>>) target(%arg6 : memref<4096xf32, #tpu.memory_space<vmem>>) target_semaphore(%arg30 : memref<!tpu.dma_semaphore, #tpu.memory_space<semaphore_mem>>)
        %add3A_680 = arith.constant 3 : i32
        %add3A_681 = arith.addi %add3A_374, %add3A_680 : i32
        %mul3A_682 = arith.constant 4 : i32
        %mul3A_683 = arith.muli %add3A_681, %mul3A_682 : i32
        %add3A_684 = arith.constant 1 : i32
        %add3A_685 = arith.addi %mul3A_683, %add3A_684 : i32
        %dma_start3A_686 = arith.constant 0 : i32
        %dma_start3A_687 = tpu.memref_slice %arg2[%add3A, %add3A_685, %dma_start3A_686] : memref<32x256x4096xf32, #tpu.memory_space<hbm>> -> memref<1x1x4096xf32, #tpu.memory_space<hbm>>
        %dma_start3A_688 = tpu.memref_squeeze %dma_start3A_687 : memref<1x1x4096xf32, #tpu.memory_space<hbm>> -> memref<4096xf32, #tpu.memory_space<hbm>>
        %dma_start3A_689 = arith.constant 0 : i32
        %dma_start3A_690 = tpu.memref_slice %arg2[%add3A, %add3A_685, %dma_start3A_689] : memref<32x256x4096xf32, #tpu.memory_space<hbm>> -> memref<1x1x4096xf32, #tpu.memory_space<hbm>>
        %dma_start3A_691 = tpu.memref_squeeze %dma_start3A_690 : memref<1x1x4096xf32, #tpu.memory_space<hbm>> -> memref<4096xf32, #tpu.memory_space<hbm>>
        tpu.enqueue_dma source(%dma_start3A_691 : memref<4096xf32, #tpu.memory_space<hbm>>) target(%arg7 : memref<4096xf32, #tpu.memory_space<vmem>>) target_semaphore(%arg30 : memref<!tpu.dma_semaphore, #tpu.memory_space<semaphore_mem>>)
        %add3A_692 = arith.constant 3 : i32
        %add3A_693 = arith.addi %add3A_374, %add3A_692 : i32
        %mul3A_694 = arith.constant 4 : i32
        %mul3A_695 = arith.muli %add3A_693, %mul3A_694 : i32
        %add3A_696 = arith.constant 2 : i32
        %add3A_697 = arith.addi %mul3A_695, %add3A_696 : i32
        %dma_start3A_698 = arith.constant 0 : i32
        %dma_start3A_699 = tpu.memref_slice %arg2[%add3A, %add3A_697, %dma_start3A_698] : memref<32x256x4096xf32, #tpu.memory_space<hbm>> -> memref<1x1x4096xf32, #tpu.memory_space<hbm>>
        %dma_start3A_700 = tpu.memref_squeeze %dma_start3A_699 : memref<1x1x4096xf32, #tpu.memory_space<hbm>> -> memref<4096xf32, #tpu.memory_space<hbm>>
        %dma_start3A_701 = arith.constant 0 : i32
        %dma_start3A_702 = tpu.memref_slice %arg2[%add3A, %add3A_697, %dma_start3A_701] : memref<32x256x4096xf32, #tpu.memory_space<hbm>> -> memref<1x1x4096xf32, #tpu.memory_space<hbm>>
        %dma_start3A_703 = tpu.memref_squeeze %dma_start3A_702 : memref<1x1x4096xf32, #tpu.memory_space<hbm>> -> memref<4096xf32, #tpu.memory_space<hbm>>
        tpu.enqueue_dma source(%dma_start3A_703 : memref<4096xf32, #tpu.memory_space<hbm>>) target(%arg8 : memref<4096xf32, #tpu.memory_space<vmem>>) target_semaphore(%arg30 : memref<!tpu.dma_semaphore, #tpu.memory_space<semaphore_mem>>)
        %add3A_704 = arith.constant 3 : i32
        %add3A_705 = arith.addi %add3A_374, %add3A_704 : i32
        %mul3A_706 = arith.constant 4 : i32
        %mul3A_707 = arith.muli %add3A_705, %mul3A_706 : i32
        %add3A_708 = arith.constant 3 : i32
        %add3A_709 = arith.addi %mul3A_707, %add3A_708 : i32
        %dma_start3A_710 = arith.constant 0 : i32
        %dma_start3A_711 = tpu.memref_slice %arg2[%add3A, %add3A_709, %dma_start3A_710] : memref<32x256x4096xf32, #tpu.memory_space<hbm>> -> memref<1x1x4096xf32, #tpu.memory_space<hbm>>
        %dma_start3A_712 = tpu.memref_squeeze %dma_start3A_711 : memref<1x1x4096xf32, #tpu.memory_space<hbm>> -> memref<4096xf32, #tpu.memory_space<hbm>>
        %dma_start3A_713 = arith.constant 0 : i32
        %dma_start3A_714 = tpu.memref_slice %arg2[%add3A, %add3A_709, %dma_start3A_713] : memref<32x256x4096xf32, #tpu.memory_space<hbm>> -> memref<1x1x4096xf32, #tpu.memory_space<hbm>>
        %dma_start3A_715 = tpu.memref_squeeze %dma_start3A_714 : memref<1x1x4096xf32, #tpu.memory_space<hbm>> -> memref<4096xf32, #tpu.memory_space<hbm>>
        tpu.enqueue_dma source(%dma_start3A_715 : memref<4096xf32, #tpu.memory_space<hbm>>) target(%arg9 : memref<4096xf32, #tpu.memory_space<vmem>>) target_semaphore(%arg30 : memref<!tpu.dma_semaphore, #tpu.memory_space<semaphore_mem>>)
      } else {
      }
      %mul3A_470 = arith.constant 3 : i32
      %mul3A_471 = arith.muli %scan3A_370, %mul3A_470 : i32
      %add3A_472 = arith.constant 1 : i32
      %add3A_473 = arith.addi %mul3A_471, %add3A_472 : i32
      %mul3A_474 = arith.constant 4 : i32
      %mul3A_475 = arith.muli %add3A_473, %mul3A_474 : i32
      %add3A_476 = arith.constant 0 : i32
      %add3A_477 = arith.addi %mul3A_475, %add3A_476 : i32
      %dma_wait3A_478 = arith.constant 0 : i32
      %dma_wait3A_479 = tpu.memref_slice %arg2[%add3A, %add3A_477, %dma_wait3A_478] : memref<32x256x4096xf32, #tpu.memory_space<hbm>> -> memref<1x1x4096xf32, #tpu.memory_space<hbm>>
      %dma_wait3A_480 = tpu.memref_squeeze %dma_wait3A_479 : memref<1x1x4096xf32, #tpu.memory_space<hbm>> -> memref<4096xf32, #tpu.memory_space<hbm>>
      %dma_wait3A_481 = arith.constant 0 : i32
      %dma_wait3A_482 = tpu.memref_slice %arg2[%add3A, %add3A_477, %dma_wait3A_481] : memref<32x256x4096xf32, #tpu.memory_space<hbm>> -> memref<1x1x4096xf32, #tpu.memory_space<hbm>>
      %dma_wait3A_483 = tpu.memref_squeeze %dma_wait3A_482 : memref<1x1x4096xf32, #tpu.memory_space<hbm>> -> memref<4096xf32, #tpu.memory_space<hbm>>
      tpu.wait_dma2 semaphore(%arg31 : memref<!tpu.dma_semaphore, #tpu.memory_space<semaphore_mem>>) src(%dma_wait3A_483 : memref<4096xf32, #tpu.memory_space<hbm>>) dst(%arg10 : memref<4096xf32, #tpu.memory_space<vmem>>)
      %mul3A_484 = arith.constant 4 : i32
      %mul3A_485 = arith.muli %add3A_473, %mul3A_484 : i32
      %add3A_486 = arith.constant 1 : i32
      %add3A_487 = arith.addi %mul3A_485, %add3A_486 : i32
      %dma_wait3A_488 = arith.constant 0 : i32
      %dma_wait3A_489 = tpu.memref_slice %arg2[%add3A, %add3A_487, %dma_wait3A_488] : memref<32x256x4096xf32, #tpu.memory_space<hbm>> -> memref<1x1x4096xf32, #tpu.memory_space<hbm>>
      %dma_wait3A_490 = tpu.memref_squeeze %dma_wait3A_489 : memref<1x1x4096xf32, #tpu.memory_space<hbm>> -> memref<4096xf32, #tpu.memory_space<hbm>>
      %dma_wait3A_491 = arith.constant 0 : i32
      %dma_wait3A_492 = tpu.memref_slice %arg2[%add3A, %add3A_487, %dma_wait3A_491] : memref<32x256x4096xf32, #tpu.memory_space<hbm>> -> memref<1x1x4096xf32, #tpu.memory_space<hbm>>
      %dma_wait3A_493 = tpu.memref_squeeze %dma_wait3A_492 : memref<1x1x4096xf32, #tpu.memory_space<hbm>> -> memref<4096xf32, #tpu.memory_space<hbm>>
      tpu.wait_dma2 semaphore(%arg31 : memref<!tpu.dma_semaphore, #tpu.memory_space<semaphore_mem>>) src(%dma_wait3A_493 : memref<4096xf32, #tpu.memory_space<hbm>>) dst(%arg11 : memref<4096xf32, #tpu.memory_space<vmem>>)
      %mul3A_494 = arith.constant 4 : i32
      %mul3A_495 = arith.muli %add3A_473, %mul3A_494 : i32
      %add3A_496 = arith.constant 2 : i32
      %add3A_497 = arith.addi %mul3A_495, %add3A_496 : i32
      %dma_wait3A_498 = arith.constant 0 : i32
      %dma_wait3A_499 = tpu.memref_slice %arg2[%add3A, %add3A_497, %dma_wait3A_498] : memref<32x256x4096xf32, #tpu.memory_space<hbm>> -> memref<1x1x4096xf32, #tpu.memory_space<hbm>>
      %dma_wait3A_500 = tpu.memref_squeeze %dma_wait3A_499 : memref<1x1x4096xf32, #tpu.memory_space<hbm>> -> memref<4096xf32, #tpu.memory_space<hbm>>
      %dma_wait3A_501 = arith.constant 0 : i32
      %dma_wait3A_502 = tpu.memref_slice %arg2[%add3A, %add3A_497, %dma_wait3A_501] : memref<32x256x4096xf32, #tpu.memory_space<hbm>> -> memref<1x1x4096xf32, #tpu.memory_space<hbm>>
      %dma_wait3A_503 = tpu.memref_squeeze %dma_wait3A_502 : memref<1x1x4096xf32, #tpu.memory_space<hbm>> -> memref<4096xf32, #tpu.memory_space<hbm>>
      tpu.wait_dma2 semaphore(%arg31 : memref<!tpu.dma_semaphore, #tpu.memory_space<semaphore_mem>>) src(%dma_wait3A_503 : memref<4096xf32, #tpu.memory_space<hbm>>) dst(%arg12 : memref<4096xf32, #tpu.memory_space<vmem>>)
      %mul3A_504 = arith.constant 4 : i32
      %mul3A_505 = arith.muli %add3A_473, %mul3A_504 : i32
      %add3A_506 = arith.constant 3 : i32
      %add3A_507 = arith.addi %mul3A_505, %add3A_506 : i32
      %dma_wait3A_508 = arith.constant 0 : i32
      %dma_wait3A_509 = tpu.memref_slice %arg2[%add3A, %add3A_507, %dma_wait3A_508] : memref<32x256x4096xf32, #tpu.memory_space<hbm>> -> memref<1x1x4096xf32, #tpu.memory_space<hbm>>
      %dma_wait3A_510 = tpu.memref_squeeze %dma_wait3A_509 : memref<1x1x4096xf32, #tpu.memory_space<hbm>> -> memref<4096xf32, #tpu.memory_space<hbm>>
      %dma_wait3A_511 = arith.constant 0 : i32
      %dma_wait3A_512 = tpu.memref_slice %arg2[%add3A, %add3A_507, %dma_wait3A_511] : memref<32x256x4096xf32, #tpu.memory_space<hbm>> -> memref<1x1x4096xf32, #tpu.memory_space<hbm>>
      %dma_wait3A_513 = tpu.memref_squeeze %dma_wait3A_512 : memref<1x1x4096xf32, #tpu.memory_space<hbm>> -> memref<4096xf32, #tpu.memory_space<hbm>>
      tpu.wait_dma2 semaphore(%arg31 : memref<!tpu.dma_semaphore, #tpu.memory_space<semaphore_mem>>) src(%dma_wait3A_513 : memref<4096xf32, #tpu.memory_space<hbm>>) dst(%arg13 : memref<4096xf32, #tpu.memory_space<vmem>>)
      %ge3A_514 = arith.constant 3 : i32
      %ge3A_515 = arith.cmpi sge, %add3A_473, %ge3A_514 : i32
      %convert_element_type3A_516 = arith.extui %ge3A_515 : i1 to i32
      %cond3A_517 = arith.constant 0 : i32
      %cond3A_518 = arith.cmpi ne, %convert_element_type3A_516, %cond3A_517 : i32
      scf.if %cond3A_518 {
        %sub3A = arith.constant 3 : i32
        %sub3A_668 = arith.subi %add3A_473, %sub3A : i32
        %mul3A_669 = arith.constant 4 : i32
        %mul3A_670 = arith.muli %sub3A_668, %mul3A_669 : i32
        %add3A_671 = arith.constant 0 : i32
        %add3A_672 = arith.addi %mul3A_670, %add3A_671 : i32
        %dma_wait3A_673 = arith.constant 0 : i32
        %dma_wait3A_674 = tpu.memref_slice %arg4[%add3A, %add3A_672, %dma_wait3A_673] : memref<32x256x4096xf32, #tpu.memory_space<hbm>> -> memref<1x1x4096xf32, #tpu.memory_space<hbm>>
        %dma_wait3A_675 = tpu.memref_squeeze %dma_wait3A_674 : memref<1x1x4096xf32, #tpu.memory_space<hbm>> -> memref<4096xf32, #tpu.memory_space<hbm>>
        %dma_wait3A_676 = arith.constant 0 : i32
        %dma_wait3A_677 = tpu.memref_slice %arg4[%add3A, %add3A_672, %dma_wait3A_676] : memref<32x256x4096xf32, #tpu.memory_space<hbm>> -> memref<1x1x4096xf32, #tpu.memory_space<hbm>>
        %dma_wait3A_678 = tpu.memref_squeeze %dma_wait3A_677 : memref<1x1x4096xf32, #tpu.memory_space<hbm>> -> memref<4096xf32, #tpu.memory_space<hbm>>
        tpu.wait_dma2 semaphore(%arg34 : memref<!tpu.dma_semaphore, #tpu.memory_space<semaphore_mem>>) src(%arg22 : memref<4096xf32, #tpu.memory_space<vmem>>) dst(%dma_wait3A_678 : memref<4096xf32, #tpu.memory_space<hbm>>)
        %sub3A_679 = arith.constant 3 : i32
        %sub3A_680 = arith.subi %add3A_473, %sub3A_679 : i32
        %mul3A_681 = arith.constant 4 : i32
        %mul3A_682 = arith.muli %sub3A_680, %mul3A_681 : i32
        %add3A_683 = arith.constant 1 : i32
        %add3A_684 = arith.addi %mul3A_682, %add3A_683 : i32
        %dma_wait3A_685 = arith.constant 0 : i32
        %dma_wait3A_686 = tpu.memref_slice %arg4[%add3A, %add3A_684, %dma_wait3A_685] : memref<32x256x4096xf32, #tpu.memory_space<hbm>> -> memref<1x1x4096xf32, #tpu.memory_space<hbm>>
        %dma_wait3A_687 = tpu.memref_squeeze %dma_wait3A_686 : memref<1x1x4096xf32, #tpu.memory_space<hbm>> -> memref<4096xf32, #tpu.memory_space<hbm>>
        %dma_wait3A_688 = arith.constant 0 : i32
        %dma_wait3A_689 = tpu.memref_slice %arg4[%add3A, %add3A_684, %dma_wait3A_688] : memref<32x256x4096xf32, #tpu.memory_space<hbm>> -> memref<1x1x4096xf32, #tpu.memory_space<hbm>>
        %dma_wait3A_690 = tpu.memref_squeeze %dma_wait3A_689 : memref<1x1x4096xf32, #tpu.memory_space<hbm>> -> memref<4096xf32, #tpu.memory_space<hbm>>
        tpu.wait_dma2 semaphore(%arg34 : memref<!tpu.dma_semaphore, #tpu.memory_space<semaphore_mem>>) src(%arg23 : memref<4096xf32, #tpu.memory_space<vmem>>) dst(%dma_wait3A_690 : memref<4096xf32, #tpu.memory_space<hbm>>)
        %sub3A_691 = arith.constant 3 : i32
        %sub3A_692 = arith.subi %add3A_473, %sub3A_691 : i32
        %mul3A_693 = arith.constant 4 : i32
        %mul3A_694 = arith.muli %sub3A_692, %mul3A_693 : i32
        %add3A_695 = arith.constant 2 : i32
        %add3A_696 = arith.addi %mul3A_694, %add3A_695 : i32
        %dma_wait3A_697 = arith.constant 0 : i32
        %dma_wait3A_698 = tpu.memref_slice %arg4[%add3A, %add3A_696, %dma_wait3A_697] : memref<32x256x4096xf32, #tpu.memory_space<hbm>> -> memref<1x1x4096xf32, #tpu.memory_space<hbm>>
        %dma_wait3A_699 = tpu.memref_squeeze %dma_wait3A_698 : memref<1x1x4096xf32, #tpu.memory_space<hbm>> -> memref<4096xf32, #tpu.memory_space<hbm>>
        %dma_wait3A_700 = arith.constant 0 : i32
        %dma_wait3A_701 = tpu.memref_slice %arg4[%add3A, %add3A_696, %dma_wait3A_700] : memref<32x256x4096xf32, #tpu.memory_space<hbm>> -> memref<1x1x4096xf32, #tpu.memory_space<hbm>>
        %dma_wait3A_702 = tpu.memref_squeeze %dma_wait3A_701 : memref<1x1x4096xf32, #tpu.memory_space<hbm>> -> memref<4096xf32, #tpu.memory_space<hbm>>
        tpu.wait_dma2 semaphore(%arg34 : memref<!tpu.dma_semaphore, #tpu.memory_space<semaphore_mem>>) src(%arg24 : memref<4096xf32, #tpu.memory_space<vmem>>) dst(%dma_wait3A_702 : memref<4096xf32, #tpu.memory_space<hbm>>)
        %sub3A_703 = arith.constant 3 : i32
        %sub3A_704 = arith.subi %add3A_473, %sub3A_703 : i32
        %mul3A_705 = arith.constant 4 : i32
        %mul3A_706 = arith.muli %sub3A_704, %mul3A_705 : i32
        %add3A_707 = arith.constant 3 : i32
        %add3A_708 = arith.addi %mul3A_706, %add3A_707 : i32
        %dma_wait3A_709 = arith.constant 0 : i32
        %dma_wait3A_710 = tpu.memref_slice %arg4[%add3A, %add3A_708, %dma_wait3A_709] : memref<32x256x4096xf32, #tpu.memory_space<hbm>> -> memref<1x1x4096xf32, #tpu.memory_space<hbm>>
        %dma_wait3A_711 = tpu.memref_squeeze %dma_wait3A_710 : memref<1x1x4096xf32, #tpu.memory_space<hbm>> -> memref<4096xf32, #tpu.memory_space<hbm>>
        %dma_wait3A_712 = arith.constant 0 : i32
        %dma_wait3A_713 = tpu.memref_slice %arg4[%add3A, %add3A_708, %dma_wait3A_712] : memref<32x256x4096xf32, #tpu.memory_space<hbm>> -> memref<1x1x4096xf32, #tpu.memory_space<hbm>>
        %dma_wait3A_714 = tpu.memref_squeeze %dma_wait3A_713 : memref<1x1x4096xf32, #tpu.memory_space<hbm>> -> memref<4096xf32, #tpu.memory_space<hbm>>
        tpu.wait_dma2 semaphore(%arg34 : memref<!tpu.dma_semaphore, #tpu.memory_space<semaphore_mem>>) src(%arg25 : memref<4096xf32, #tpu.memory_space<vmem>>) dst(%dma_wait3A_714 : memref<4096xf32, #tpu.memory_space<hbm>>)
      } else {
      }
      %parallel_loop3A_519 = arith.constant 0 : i32
      %parallel_loop3A_520 = arith.constant 4096 : i32
      %parallel_loop3A_521 = arith.constant 16 : i32
      scf.for %parallel_loop3A_668 = %parallel_loop3A_519 to %parallel_loop3A_520 step %parallel_loop3A_521  : i32 {
        %parallel_loop3A_669 = arith.index_cast %parallel_loop3A_668 : i32 to index
        %parallel_loop3A_670 = tpu.vector_load %arg5[%parallel_loop3A_669] {strides = array<i32>} : memref<4096xi32, #tpu.memory_space<vmem>>, vector<16xi32>,
        %parallel_loop3A_671 = tpu.vector_load_idx %arg10[%parallel_loop3A_670] : memref<4096xf32, #tpu.memory_space<vmem>>[vector<16xi32>], vector<16xf32>,
        %parallel_loop3A_672 = arith.index_cast %parallel_loop3A_668 : i32 to index
        %parallel_loop3A_673 = tpu.vector_load %arg22[%parallel_loop3A_672] {strides = array<i32>} : memref<4096xf32, #tpu.memory_space<vmem>>, vector<16xf32>,
        tpu.vector_store %arg22[%parallel_loop3A_672], %parallel_loop3A_671 {strides = array<i32>} : memref<4096xf32, #tpu.memory_space<vmem>>, vector<16xf32>,
        %parallel_loop3A_674 = tpu.vector_load_idx %arg11[%parallel_loop3A_670] : memref<4096xf32, #tpu.memory_space<vmem>>[vector<16xi32>], vector<16xf32>,
        %parallel_loop3A_675 = arith.index_cast %parallel_loop3A_668 : i32 to index
        %parallel_loop3A_676 = tpu.vector_load %arg23[%parallel_loop3A_675] {strides = array<i32>} : memref<4096xf32, #tpu.memory_space<vmem>>, vector<16xf32>,
        tpu.vector_store %arg23[%parallel_loop3A_675], %parallel_loop3A_674 {strides = array<i32>} : memref<4096xf32, #tpu.memory_space<vmem>>, vector<16xf32>,
        %parallel_loop3A_677 = tpu.vector_load_idx %arg12[%parallel_loop3A_670] : memref<4096xf32, #tpu.memory_space<vmem>>[vector<16xi32>], vector<16xf32>,
        %parallel_loop3A_678 = arith.index_cast %parallel_loop3A_668 : i32 to index
        %parallel_loop3A_679 = tpu.vector_load %arg24[%parallel_loop3A_678] {strides = array<i32>} : memref<4096xf32, #tpu.memory_space<vmem>>, vector<16xf32>,
        tpu.vector_store %arg24[%parallel_loop3A_678], %parallel_loop3A_677 {strides = array<i32>} : memref<4096xf32, #tpu.memory_space<vmem>>, vector<16xf32>,
        %parallel_loop3A_680 = tpu.vector_load_idx %arg13[%parallel_loop3A_670] : memref<4096xf32, #tpu.memory_space<vmem>>[vector<16xi32>], vector<16xf32>,
        %parallel_loop3A_681 = arith.index_cast %parallel_loop3A_668 : i32 to index
        %parallel_loop3A_682 = tpu.vector_load %arg25[%parallel_loop3A_681] {strides = array<i32>} : memref<4096xf32, #tpu.memory_space<vmem>>, vector<16xf32>,
        tpu.vector_store %arg25[%parallel_loop3A_681], %parallel_loop3A_680 {strides = array<i32>} : memref<4096xf32, #tpu.memory_space<vmem>>, vector<16xf32>,
      } {sc.loop_unroll_factor = 4 : i64, sc.parallel_access}
      %mul3A_522 = arith.constant 4 : i32
      %mul3A_523 = arith.muli %add3A_473, %mul3A_522 : i32
      %add3A_524 = arith.constant 0 : i32
      %add3A_525 = arith.addi %mul3A_523, %add3A_524 : i32
      %dma_start3A_526 = arith.constant 0 : i32
      %dma_start3A_527 = tpu.memref_slice %arg4[%add3A, %add3A_525, %dma_start3A_526] : memref<32x256x4096xf32, #tpu.memory_space<hbm>> -> memref<1x1x4096xf32, #tpu.memory_space<hbm>>
      %dma_start3A_528 = tpu.memref_squeeze %dma_start3A_527 : memref<1x1x4096xf32, #tpu.memory_space<hbm>> -> memref<4096xf32, #tpu.memory_space<hbm>>
      %dma_start3A_529 = arith.constant 0 : i32
      %dma_start3A_530 = tpu.memref_slice %arg4[%add3A, %add3A_525, %dma_start3A_529] : memref<32x256x4096xf32, #tpu.memory_space<hbm>> -> memref<1x1x4096xf32, #tpu.memory_space<hbm>>
      %dma_start3A_531 = tpu.memref_squeeze %dma_start3A_530 : memref<1x1x4096xf32, #tpu.memory_space<hbm>> -> memref<4096xf32, #tpu.memory_space<hbm>>
      tpu.enqueue_dma source(%arg22 : memref<4096xf32, #tpu.memory_space<vmem>>) target(%dma_start3A_531 : memref<4096xf32, #tpu.memory_space<hbm>>) target_semaphore(%arg34 : memref<!tpu.dma_semaphore, #tpu.memory_space<semaphore_mem>>)
      %mul3A_532 = arith.constant 4 : i32
      %mul3A_533 = arith.muli %add3A_473, %mul3A_532 : i32
      %add3A_534 = arith.constant 1 : i32
      %add3A_535 = arith.addi %mul3A_533, %add3A_534 : i32
      %dma_start3A_536 = arith.constant 0 : i32
      %dma_start3A_537 = tpu.memref_slice %arg4[%add3A, %add3A_535, %dma_start3A_536] : memref<32x256x4096xf32, #tpu.memory_space<hbm>> -> memref<1x1x4096xf32, #tpu.memory_space<hbm>>
      %dma_start3A_538 = tpu.memref_squeeze %dma_start3A_537 : memref<1x1x4096xf32, #tpu.memory_space<hbm>> -> memref<4096xf32, #tpu.memory_space<hbm>>
      %dma_start3A_539 = arith.constant 0 : i32
      %dma_start3A_540 = tpu.memref_slice %arg4[%add3A, %add3A_535, %dma_start3A_539] : memref<32x256x4096xf32, #tpu.memory_space<hbm>> -> memref<1x1x4096xf32, #tpu.memory_space<hbm>>
      %dma_start3A_541 = tpu.memref_squeeze %dma_start3A_540 : memref<1x1x4096xf32, #tpu.memory_space<hbm>> -> memref<4096xf32, #tpu.memory_space<hbm>>
      tpu.enqueue_dma source(%arg23 : memref<4096xf32, #tpu.memory_space<vmem>>) target(%dma_start3A_541 : memref<4096xf32, #tpu.memory_space<hbm>>) target_semaphore(%arg34 : memref<!tpu.dma_semaphore, #tpu.memory_space<semaphore_mem>>)
      %mul3A_542 = arith.constant 4 : i32
      %mul3A_543 = arith.muli %add3A_473, %mul3A_542 : i32
      %add3A_544 = arith.constant 2 : i32
      %add3A_545 = arith.addi %mul3A_543, %add3A_544 : i32
      %dma_start3A_546 = arith.constant 0 : i32
      %dma_start3A_547 = tpu.memref_slice %arg4[%add3A, %add3A_545, %dma_start3A_546] : memref<32x256x4096xf32, #tpu.memory_space<hbm>> -> memref<1x1x4096xf32, #tpu.memory_space<hbm>>
      %dma_start3A_548 = tpu.memref_squeeze %dma_start3A_547 : memref<1x1x4096xf32, #tpu.memory_space<hbm>> -> memref<4096xf32, #tpu.memory_space<hbm>>
      %dma_start3A_549 = arith.constant 0 : i32
      %dma_start3A_550 = tpu.memref_slice %arg4[%add3A, %add3A_545, %dma_start3A_549] : memref<32x256x4096xf32, #tpu.memory_space<hbm>> -> memref<1x1x4096xf32, #tpu.memory_space<hbm>>
      %dma_start3A_551 = tpu.memref_squeeze %dma_start3A_550 : memref<1x1x4096xf32, #tpu.memory_space<hbm>> -> memref<4096xf32, #tpu.memory_space<hbm>>
      tpu.enqueue_dma source(%arg24 : memref<4096xf32, #tpu.memory_space<vmem>>) target(%dma_start3A_551 : memref<4096xf32, #tpu.memory_space<hbm>>) target_semaphore(%arg34 : memref<!tpu.dma_semaphore, #tpu.memory_space<semaphore_mem>>)
      %mul3A_552 = arith.constant 4 : i32
      %mul3A_553 = arith.muli %add3A_473, %mul3A_552 : i32
      %add3A_554 = arith.constant 3 : i32
      %add3A_555 = arith.addi %mul3A_553, %add3A_554 : i32
      %dma_start3A_556 = arith.constant 0 : i32
      %dma_start3A_557 = tpu.memref_slice %arg4[%add3A, %add3A_555, %dma_start3A_556] : memref<32x256x4096xf32, #tpu.memory_space<hbm>> -> memref<1x1x4096xf32, #tpu.memory_space<hbm>>
      %dma_start3A_558 = tpu.memref_squeeze %dma_start3A_557 : memref<1x1x4096xf32, #tpu.memory_space<hbm>> -> memref<4096xf32, #tpu.memory_space<hbm>>
      %dma_start3A_559 = arith.constant 0 : i32
      %dma_start3A_560 = tpu.memref_slice %arg4[%add3A, %add3A_555, %dma_start3A_559] : memref<32x256x4096xf32, #tpu.memory_space<hbm>> -> memref<1x1x4096xf32, #tpu.memory_space<hbm>>
      %dma_start3A_561 = tpu.memref_squeeze %dma_start3A_560 : memref<1x1x4096xf32, #tpu.memory_space<hbm>> -> memref<4096xf32, #tpu.memory_space<hbm>>
      tpu.enqueue_dma source(%arg25 : memref<4096xf32, #tpu.memory_space<vmem>>) target(%dma_start3A_561 : memref<4096xf32, #tpu.memory_space<hbm>>) target_semaphore(%arg34 : memref<!tpu.dma_semaphore, #tpu.memory_space<semaphore_mem>>)
      %add3A_562 = arith.constant 3 : i32
      %add3A_563 = arith.addi %add3A_473, %add3A_562 : i32
      %lt3A_564 = arith.constant 64 : i32
      %lt3A_565 = arith.cmpi slt, %add3A_563, %lt3A_564 : i32
      %convert_element_type3A_566 = arith.extui %lt3A_565 : i1 to i32
      %cond3A_567 = arith.constant 0 : i32
      %cond3A_568 = arith.cmpi ne, %convert_element_type3A_566, %cond3A_567 : i32
      scf.if %cond3A_568 {
        %add3A_668 = arith.constant 3 : i32
        %add3A_669 = arith.addi %add3A_473, %add3A_668 : i32
        %mul3A_670 = arith.constant 4 : i32
        %mul3A_671 = arith.muli %add3A_669, %mul3A_670 : i32
        %add3A_672 = arith.constant 0 : i32
        %add3A_673 = arith.addi %mul3A_671, %add3A_672 : i32
        %dma_start3A_674 = arith.constant 0 : i32
        %dma_start3A_675 = tpu.memref_slice %arg2[%add3A, %add3A_673, %dma_start3A_674] : memref<32x256x4096xf32, #tpu.memory_space<hbm>> -> memref<1x1x4096xf32, #tpu.memory_space<hbm>>
        %dma_start3A_676 = tpu.memref_squeeze %dma_start3A_675 : memref<1x1x4096xf32, #tpu.memory_space<hbm>> -> memref<4096xf32, #tpu.memory_space<hbm>>
        %dma_start3A_677 = arith.constant 0 : i32
        %dma_start3A_678 = tpu.memref_slice %arg2[%add3A, %add3A_673, %dma_start3A_677] : memref<32x256x4096xf32, #tpu.memory_space<hbm>> -> memref<1x1x4096xf32, #tpu.memory_space<hbm>>
        %dma_start3A_679 = tpu.memref_squeeze %dma_start3A_678 : memref<1x1x4096xf32, #tpu.memory_space<hbm>> -> memref<4096xf32, #tpu.memory_space<hbm>>
        tpu.enqueue_dma source(%dma_start3A_679 : memref<4096xf32, #tpu.memory_space<hbm>>) target(%arg10 : memref<4096xf32, #tpu.memory_space<vmem>>) target_semaphore(%arg31 : memref<!tpu.dma_semaphore, #tpu.memory_space<semaphore_mem>>)
        %add3A_680 = arith.constant 3 : i32
        %add3A_681 = arith.addi %add3A_473, %add3A_680 : i32
        %mul3A_682 = arith.constant 4 : i32
        %mul3A_683 = arith.muli %add3A_681, %mul3A_682 : i32
        %add3A_684 = arith.constant 1 : i32
        %add3A_685 = arith.addi %mul3A_683, %add3A_684 : i32
        %dma_start3A_686 = arith.constant 0 : i32
        %dma_start3A_687 = tpu.memref_slice %arg2[%add3A, %add3A_685, %dma_start3A_686] : memref<32x256x4096xf32, #tpu.memory_space<hbm>> -> memref<1x1x4096xf32, #tpu.memory_space<hbm>>
        %dma_start3A_688 = tpu.memref_squeeze %dma_start3A_687 : memref<1x1x4096xf32, #tpu.memory_space<hbm>> -> memref<4096xf32, #tpu.memory_space<hbm>>
        %dma_start3A_689 = arith.constant 0 : i32
        %dma_start3A_690 = tpu.memref_slice %arg2[%add3A, %add3A_685, %dma_start3A_689] : memref<32x256x4096xf32, #tpu.memory_space<hbm>> -> memref<1x1x4096xf32, #tpu.memory_space<hbm>>
        %dma_start3A_691 = tpu.memref_squeeze %dma_start3A_690 : memref<1x1x4096xf32, #tpu.memory_space<hbm>> -> memref<4096xf32, #tpu.memory_space<hbm>>
        tpu.enqueue_dma source(%dma_start3A_691 : memref<4096xf32, #tpu.memory_space<hbm>>) target(%arg11 : memref<4096xf32, #tpu.memory_space<vmem>>) target_semaphore(%arg31 : memref<!tpu.dma_semaphore, #tpu.memory_space<semaphore_mem>>)
        %add3A_692 = arith.constant 3 : i32
        %add3A_693 = arith.addi %add3A_473, %add3A_692 : i32
        %mul3A_694 = arith.constant 4 : i32
        %mul3A_695 = arith.muli %add3A_693, %mul3A_694 : i32
        %add3A_696 = arith.constant 2 : i32
        %add3A_697 = arith.addi %mul3A_695, %add3A_696 : i32
        %dma_start3A_698 = arith.constant 0 : i32
        %dma_start3A_699 = tpu.memref_slice %arg2[%add3A, %add3A_697, %dma_start3A_698] : memref<32x256x4096xf32, #tpu.memory_space<hbm>> -> memref<1x1x4096xf32, #tpu.memory_space<hbm>>
        %dma_start3A_700 = tpu.memref_squeeze %dma_start3A_699 : memref<1x1x4096xf32, #tpu.memory_space<hbm>> -> memref<4096xf32, #tpu.memory_space<hbm>>
        %dma_start3A_701 = arith.constant 0 : i32
        %dma_start3A_702 = tpu.memref_slice %arg2[%add3A, %add3A_697, %dma_start3A_701] : memref<32x256x4096xf32, #tpu.memory_space<hbm>> -> memref<1x1x4096xf32, #tpu.memory_space<hbm>>
        %dma_start3A_703 = tpu.memref_squeeze %dma_start3A_702 : memref<1x1x4096xf32, #tpu.memory_space<hbm>> -> memref<4096xf32, #tpu.memory_space<hbm>>
        tpu.enqueue_dma source(%dma_start3A_703 : memref<4096xf32, #tpu.memory_space<hbm>>) target(%arg12 : memref<4096xf32, #tpu.memory_space<vmem>>) target_semaphore(%arg31 : memref<!tpu.dma_semaphore, #tpu.memory_space<semaphore_mem>>)
        %add3A_704 = arith.constant 3 : i32
        %add3A_705 = arith.addi %add3A_473, %add3A_704 : i32
        %mul3A_706 = arith.constant 4 : i32
        %mul3A_707 = arith.muli %add3A_705, %mul3A_706 : i32
        %add3A_708 = arith.constant 3 : i32
        %add3A_709 = arith.addi %mul3A_707, %add3A_708 : i32
        %dma_start3A_710 = arith.constant 0 : i32
        %dma_start3A_711 = tpu.memref_slice %arg2[%add3A, %add3A_709, %dma_start3A_710] : memref<32x256x4096xf32, #tpu.memory_space<hbm>> -> memref<1x1x4096xf32, #tpu.memory_space<hbm>>
        %dma_start3A_712 = tpu.memref_squeeze %dma_start3A_711 : memref<1x1x4096xf32, #tpu.memory_space<hbm>> -> memref<4096xf32, #tpu.memory_space<hbm>>
        %dma_start3A_713 = arith.constant 0 : i32
        %dma_start3A_714 = tpu.memref_slice %arg2[%add3A, %add3A_709, %dma_start3A_713] : memref<32x256x4096xf32, #tpu.memory_space<hbm>> -> memref<1x1x4096xf32, #tpu.memory_space<hbm>>
        %dma_start3A_715 = tpu.memref_squeeze %dma_start3A_714 : memref<1x1x4096xf32, #tpu.memory_space<hbm>> -> memref<4096xf32, #tpu.memory_space<hbm>>
        tpu.enqueue_dma source(%dma_start3A_715 : memref<4096xf32, #tpu.memory_space<hbm>>) target(%arg13 : memref<4096xf32, #tpu.memory_space<vmem>>) target_semaphore(%arg31 : memref<!tpu.dma_semaphore, #tpu.memory_space<semaphore_mem>>)
      } else {
      }
      %mul3A_569 = arith.constant 3 : i32
      %mul3A_570 = arith.muli %scan3A_370, %mul3A_569 : i32
      %add3A_571 = arith.constant 2 : i32
      %add3A_572 = arith.addi %mul3A_570, %add3A_571 : i32
      %mul3A_573 = arith.constant 4 : i32
      %mul3A_574 = arith.muli %add3A_572, %mul3A_573 : i32
      %add3A_575 = arith.constant 0 : i32
      %add3A_576 = arith.addi %mul3A_574, %add3A_575 : i32
      %dma_wait3A_577 = arith.constant 0 : i32
      %dma_wait3A_578 = tpu.memref_slice %arg2[%add3A, %add3A_576, %dma_wait3A_577] : memref<32x256x4096xf32, #tpu.memory_space<hbm>> -> memref<1x1x4096xf32, #tpu.memory_space<hbm>>
      %dma_wait3A_579 = tpu.memref_squeeze %dma_wait3A_578 : memref<1x1x4096xf32, #tpu.memory_space<hbm>> -> memref<4096xf32, #tpu.memory_space<hbm>>
      %dma_wait3A_580 = arith.constant 0 : i32
      %dma_wait3A_581 = tpu.memref_slice %arg2[%add3A, %add3A_576, %dma_wait3A_580] : memref<32x256x4096xf32, #tpu.memory_space<hbm>> -> memref<1x1x4096xf32, #tpu.memory_space<hbm>>
      %dma_wait3A_582 = tpu.memref_squeeze %dma_wait3A_581 : memref<1x1x4096xf32, #tpu.memory_space<hbm>> -> memref<4096xf32, #tpu.memory_space<hbm>>
      tpu.wait_dma2 semaphore(%arg32 : memref<!tpu.dma_semaphore, #tpu.memory_space<semaphore_mem>>) src(%dma_wait3A_582 : memref<4096xf32, #tpu.memory_space<hbm>>) dst(%arg14 : memref<4096xf32, #tpu.memory_space<vmem>>)
      %mul3A_583 = arith.constant 4 : i32
      %mul3A_584 = arith.muli %add3A_572, %mul3A_583 : i32
      %add3A_585 = arith.constant 1 : i32
      %add3A_586 = arith.addi %mul3A_584, %add3A_585 : i32
      %dma_wait3A_587 = arith.constant 0 : i32
      %dma_wait3A_588 = tpu.memref_slice %arg2[%add3A, %add3A_586, %dma_wait3A_587] : memref<32x256x4096xf32, #tpu.memory_space<hbm>> -> memref<1x1x4096xf32, #tpu.memory_space<hbm>>
      %dma_wait3A_589 = tpu.memref_squeeze %dma_wait3A_588 : memref<1x1x4096xf32, #tpu.memory_space<hbm>> -> memref<4096xf32, #tpu.memory_space<hbm>>
      %dma_wait3A_590 = arith.constant 0 : i32
      %dma_wait3A_591 = tpu.memref_slice %arg2[%add3A, %add3A_586, %dma_wait3A_590] : memref<32x256x4096xf32, #tpu.memory_space<hbm>> -> memref<1x1x4096xf32, #tpu.memory_space<hbm>>
      %dma_wait3A_592 = tpu.memref_squeeze %dma_wait3A_591 : memref<1x1x4096xf32, #tpu.memory_space<hbm>> -> memref<4096xf32, #tpu.memory_space<hbm>>
      tpu.wait_dma2 semaphore(%arg32 : memref<!tpu.dma_semaphore, #tpu.memory_space<semaphore_mem>>) src(%dma_wait3A_592 : memref<4096xf32, #tpu.memory_space<hbm>>) dst(%arg15 : memref<4096xf32, #tpu.memory_space<vmem>>)
      %mul3A_593 = arith.constant 4 : i32
      %mul3A_594 = arith.muli %add3A_572, %mul3A_593 : i32
      %add3A_595 = arith.constant 2 : i32
      %add3A_596 = arith.addi %mul3A_594, %add3A_595 : i32
      %dma_wait3A_597 = arith.constant 0 : i32
      %dma_wait3A_598 = tpu.memref_slice %arg2[%add3A, %add3A_596, %dma_wait3A_597] : memref<32x256x4096xf32, #tpu.memory_space<hbm>> -> memref<1x1x4096xf32, #tpu.memory_space<hbm>>
      %dma_wait3A_599 = tpu.memref_squeeze %dma_wait3A_598 : memref<1x1x4096xf32, #tpu.memory_space<hbm>> -> memref<4096xf32, #tpu.memory_space<hbm>>
      %dma_wait3A_600 = arith.constant 0 : i32
      %dma_wait3A_601 = tpu.memref_slice %arg2[%add3A, %add3A_596, %dma_wait3A_600] : memref<32x256x4096xf32, #tpu.memory_space<hbm>> -> memref<1x1x4096xf32, #tpu.memory_space<hbm>>
      %dma_wait3A_602 = tpu.memref_squeeze %dma_wait3A_601 : memref<1x1x4096xf32, #tpu.memory_space<hbm>> -> memref<4096xf32, #tpu.memory_space<hbm>>
      tpu.wait_dma2 semaphore(%arg32 : memref<!tpu.dma_semaphore, #tpu.memory_space<semaphore_mem>>) src(%dma_wait3A_602 : memref<4096xf32, #tpu.memory_space<hbm>>) dst(%arg16 : memref<4096xf32, #tpu.memory_space<vmem>>)
      %mul3A_603 = arith.constant 4 : i32
      %mul3A_604 = arith.muli %add3A_572, %mul3A_603 : i32
      %add3A_605 = arith.constant 3 : i32
      %add3A_606 = arith.addi %mul3A_604, %add3A_605 : i32
      %dma_wait3A_607 = arith.constant 0 : i32
      %dma_wait3A_608 = tpu.memref_slice %arg2[%add3A, %add3A_606, %dma_wait3A_607] : memref<32x256x4096xf32, #tpu.memory_space<hbm>> -> memref<1x1x4096xf32, #tpu.memory_space<hbm>>
      %dma_wait3A_609 = tpu.memref_squeeze %dma_wait3A_608 : memref<1x1x4096xf32, #tpu.memory_space<hbm>> -> memref<4096xf32, #tpu.memory_space<hbm>>
      %dma_wait3A_610 = arith.constant 0 : i32
      %dma_wait3A_611 = tpu.memref_slice %arg2[%add3A, %add3A_606, %dma_wait3A_610] : memref<32x256x4096xf32, #tpu.memory_space<hbm>> -> memref<1x1x4096xf32, #tpu.memory_space<hbm>>
      %dma_wait3A_612 = tpu.memref_squeeze %dma_wait3A_611 : memref<1x1x4096xf32, #tpu.memory_space<hbm>> -> memref<4096xf32, #tpu.memory_space<hbm>>
      tpu.wait_dma2 semaphore(%arg32 : memref<!tpu.dma_semaphore, #tpu.memory_space<semaphore_mem>>) src(%dma_wait3A_612 : memref<4096xf32, #tpu.memory_space<hbm>>) dst(%arg17 : memref<4096xf32, #tpu.memory_space<vmem>>)
      %ge3A_613 = arith.constant 3 : i32
      %ge3A_614 = arith.cmpi sge, %add3A_572, %ge3A_613 : i32
      %convert_element_type3A_615 = arith.extui %ge3A_614 : i1 to i32
      %cond3A_616 = arith.constant 0 : i32
      %cond3A_617 = arith.cmpi ne, %convert_element_type3A_615, %cond3A_616 : i32
      scf.if %cond3A_617 {
        %sub3A = arith.constant 3 : i32
        %sub3A_668 = arith.subi %add3A_572, %sub3A : i32
        %mul3A_669 = arith.constant 4 : i32
        %mul3A_670 = arith.muli %sub3A_668, %mul3A_669 : i32
        %add3A_671 = arith.constant 0 : i32
        %add3A_672 = arith.addi %mul3A_670, %add3A_671 : i32
        %dma_wait3A_673 = arith.constant 0 : i32
        %dma_wait3A_674 = tpu.memref_slice %arg4[%add3A, %add3A_672, %dma_wait3A_673] : memref<32x256x4096xf32, #tpu.memory_space<hbm>> -> memref<1x1x4096xf32, #tpu.memory_space<hbm>>
        %dma_wait3A_675 = tpu.memref_squeeze %dma_wait3A_674 : memref<1x1x4096xf32, #tpu.memory_space<hbm>> -> memref<4096xf32, #tpu.memory_space<hbm>>
        %dma_wait3A_676 = arith.constant 0 : i32
        %dma_wait3A_677 = tpu.memref_slice %arg4[%add3A, %add3A_672, %dma_wait3A_676] : memref<32x256x4096xf32, #tpu.memory_space<hbm>> -> memref<1x1x4096xf32, #tpu.memory_space<hbm>>
        %dma_wait3A_678 = tpu.memref_squeeze %dma_wait3A_677 : memref<1x1x4096xf32, #tpu.memory_space<hbm>> -> memref<4096xf32, #tpu.memory_space<hbm>>
        tpu.wait_dma2 semaphore(%arg35 : memref<!tpu.dma_semaphore, #tpu.memory_space<semaphore_mem>>) src(%arg26 : memref<4096xf32, #tpu.memory_space<vmem>>) dst(%dma_wait3A_678 : memref<4096xf32, #tpu.memory_space<hbm>>)
        %sub3A_679 = arith.constant 3 : i32
        %sub3A_680 = arith.subi %add3A_572, %sub3A_679 : i32
        %mul3A_681 = arith.constant 4 : i32
        %mul3A_682 = arith.muli %sub3A_680, %mul3A_681 : i32
        %add3A_683 = arith.constant 1 : i32
        %add3A_684 = arith.addi %mul3A_682, %add3A_683 : i32
        %dma_wait3A_685 = arith.constant 0 : i32
        %dma_wait3A_686 = tpu.memref_slice %arg4[%add3A, %add3A_684, %dma_wait3A_685] : memref<32x256x4096xf32, #tpu.memory_space<hbm>> -> memref<1x1x4096xf32, #tpu.memory_space<hbm>>
        %dma_wait3A_687 = tpu.memref_squeeze %dma_wait3A_686 : memref<1x1x4096xf32, #tpu.memory_space<hbm>> -> memref<4096xf32, #tpu.memory_space<hbm>>
        %dma_wait3A_688 = arith.constant 0 : i32
        %dma_wait3A_689 = tpu.memref_slice %arg4[%add3A, %add3A_684, %dma_wait3A_688] : memref<32x256x4096xf32, #tpu.memory_space<hbm>> -> memref<1x1x4096xf32, #tpu.memory_space<hbm>>
        %dma_wait3A_690 = tpu.memref_squeeze %dma_wait3A_689 : memref<1x1x4096xf32, #tpu.memory_space<hbm>> -> memref<4096xf32, #tpu.memory_space<hbm>>
        tpu.wait_dma2 semaphore(%arg35 : memref<!tpu.dma_semaphore, #tpu.memory_space<semaphore_mem>>) src(%arg27 : memref<4096xf32, #tpu.memory_space<vmem>>) dst(%dma_wait3A_690 : memref<4096xf32, #tpu.memory_space<hbm>>)
        %sub3A_691 = arith.constant 3 : i32
        %sub3A_692 = arith.subi %add3A_572, %sub3A_691 : i32
        %mul3A_693 = arith.constant 4 : i32
        %mul3A_694 = arith.muli %sub3A_692, %mul3A_693 : i32
        %add3A_695 = arith.constant 2 : i32
        %add3A_696 = arith.addi %mul3A_694, %add3A_695 : i32
        %dma_wait3A_697 = arith.constant 0 : i32
        %dma_wait3A_698 = tpu.memref_slice %arg4[%add3A, %add3A_696, %dma_wait3A_697] : memref<32x256x4096xf32, #tpu.memory_space<hbm>> -> memref<1x1x4096xf32, #tpu.memory_space<hbm>>
        %dma_wait3A_699 = tpu.memref_squeeze %dma_wait3A_698 : memref<1x1x4096xf32, #tpu.memory_space<hbm>> -> memref<4096xf32, #tpu.memory_space<hbm>>
        %dma_wait3A_700 = arith.constant 0 : i32
        %dma_wait3A_701 = tpu.memref_slice %arg4[%add3A, %add3A_696, %dma_wait3A_700] : memref<32x256x4096xf32, #tpu.memory_space<hbm>> -> memref<1x1x4096xf32, #tpu.memory_space<hbm>>
        %dma_wait3A_702 = tpu.memref_squeeze %dma_wait3A_701 : memref<1x1x4096xf32, #tpu.memory_space<hbm>> -> memref<4096xf32, #tpu.memory_space<hbm>>
        tpu.wait_dma2 semaphore(%arg35 : memref<!tpu.dma_semaphore, #tpu.memory_space<semaphore_mem>>) src(%arg28 : memref<4096xf32, #tpu.memory_space<vmem>>) dst(%dma_wait3A_702 : memref<4096xf32, #tpu.memory_space<hbm>>)
        %sub3A_703 = arith.constant 3 : i32
        %sub3A_704 = arith.subi %add3A_572, %sub3A_703 : i32
        %mul3A_705 = arith.constant 4 : i32
        %mul3A_706 = arith.muli %sub3A_704, %mul3A_705 : i32
        %add3A_707 = arith.constant 3 : i32
        %add3A_708 = arith.addi %mul3A_706, %add3A_707 : i32
        %dma_wait3A_709 = arith.constant 0 : i32
        %dma_wait3A_710 = tpu.memref_slice %arg4[%add3A, %add3A_708, %dma_wait3A_709] : memref<32x256x4096xf32, #tpu.memory_space<hbm>> -> memref<1x1x4096xf32, #tpu.memory_space<hbm>>
        %dma_wait3A_711 = tpu.memref_squeeze %dma_wait3A_710 : memref<1x1x4096xf32, #tpu.memory_space<hbm>> -> memref<4096xf32, #tpu.memory_space<hbm>>
        %dma_wait3A_712 = arith.constant 0 : i32
        %dma_wait3A_713 = tpu.memref_slice %arg4[%add3A, %add3A_708, %dma_wait3A_712] : memref<32x256x4096xf32, #tpu.memory_space<hbm>> -> memref<1x1x4096xf32, #tpu.memory_space<hbm>>
        %dma_wait3A_714 = tpu.memref_squeeze %dma_wait3A_713 : memref<1x1x4096xf32, #tpu.memory_space<hbm>> -> memref<4096xf32, #tpu.memory_space<hbm>>
        tpu.wait_dma2 semaphore(%arg35 : memref<!tpu.dma_semaphore, #tpu.memory_space<semaphore_mem>>) src(%arg29 : memref<4096xf32, #tpu.memory_space<vmem>>) dst(%dma_wait3A_714 : memref<4096xf32, #tpu.memory_space<hbm>>)
      } else {
      }
      %parallel_loop3A_618 = arith.constant 0 : i32
      %parallel_loop3A_619 = arith.constant 4096 : i32
      %parallel_loop3A_620 = arith.constant 16 : i32
      scf.for %parallel_loop3A_668 = %parallel_loop3A_618 to %parallel_loop3A_619 step %parallel_loop3A_620  : i32 {
        %parallel_loop3A_669 = arith.index_cast %parallel_loop3A_668 : i32 to index
        %parallel_loop3A_670 = tpu.vector_load %arg5[%parallel_loop3A_669] {strides = array<i32>} : memref<4096xi32, #tpu.memory_space<vmem>>, vector<16xi32>,
        %parallel_loop3A_671 = tpu.vector_load_idx %arg14[%parallel_loop3A_670] : memref<4096xf32, #tpu.memory_space<vmem>>[vector<16xi32>], vector<16xf32>,
        %parallel_loop3A_672 = arith.index_cast %parallel_loop3A_668 : i32 to index
        %parallel_loop3A_673 = tpu.vector_load %arg26[%parallel_loop3A_672] {strides = array<i32>} : memref<4096xf32, #tpu.memory_space<vmem>>, vector<16xf32>,
        tpu.vector_store %arg26[%parallel_loop3A_672], %parallel_loop3A_671 {strides = array<i32>} : memref<4096xf32, #tpu.memory_space<vmem>>, vector<16xf32>,
        %parallel_loop3A_674 = tpu.vector_load_idx %arg15[%parallel_loop3A_670] : memref<4096xf32, #tpu.memory_space<vmem>>[vector<16xi32>], vector<16xf32>,
        %parallel_loop3A_675 = arith.index_cast %parallel_loop3A_668 : i32 to index
        %parallel_loop3A_676 = tpu.vector_load %arg27[%parallel_loop3A_675] {strides = array<i32>} : memref<4096xf32, #tpu.memory_space<vmem>>, vector<16xf32>,
        tpu.vector_store %arg27[%parallel_loop3A_675], %parallel_loop3A_674 {strides = array<i32>} : memref<4096xf32, #tpu.memory_space<vmem>>, vector<16xf32>,
        %parallel_loop3A_677 = tpu.vector_load_idx %arg16[%parallel_loop3A_670] : memref<4096xf32, #tpu.memory_space<vmem>>[vector<16xi32>], vector<16xf32>,
        %parallel_loop3A_678 = arith.index_cast %parallel_loop3A_668 : i32 to index
        %parallel_loop3A_679 = tpu.vector_load %arg28[%parallel_loop3A_678] {strides = array<i32>} : memref<4096xf32, #tpu.memory_space<vmem>>, vector<16xf32>,
        tpu.vector_store %arg28[%parallel_loop3A_678], %parallel_loop3A_677 {strides = array<i32>} : memref<4096xf32, #tpu.memory_space<vmem>>, vector<16xf32>,
        %parallel_loop3A_680 = tpu.vector_load_idx %arg17[%parallel_loop3A_670] : memref<4096xf32, #tpu.memory_space<vmem>>[vector<16xi32>], vector<16xf32>,
        %parallel_loop3A_681 = arith.index_cast %parallel_loop3A_668 : i32 to index
        %parallel_loop3A_682 = tpu.vector_load %arg29[%parallel_loop3A_681] {strides = array<i32>} : memref<4096xf32, #tpu.memory_space<vmem>>, vector<16xf32>,
        tpu.vector_store %arg29[%parallel_loop3A_681], %parallel_loop3A_680 {strides = array<i32>} : memref<4096xf32, #tpu.memory_space<vmem>>, vector<16xf32>,
      } {sc.loop_unroll_factor = 4 : i64, sc.parallel_access}
      %mul3A_621 = arith.constant 4 : i32
      %mul3A_622 = arith.muli %add3A_572, %mul3A_621 : i32
      %add3A_623 = arith.constant 0 : i32
      %add3A_624 = arith.addi %mul3A_622, %add3A_623 : i32
      %dma_start3A_625 = arith.constant 0 : i32
      %dma_start3A_626 = tpu.memref_slice %arg4[%add3A, %add3A_624, %dma_start3A_625] : memref<32x256x4096xf32, #tpu.memory_space<hbm>> -> memref<1x1x4096xf32, #tpu.memory_space<hbm>>
      %dma_start3A_627 = tpu.memref_squeeze %dma_start3A_626 : memref<1x1x4096xf32, #tpu.memory_space<hbm>> -> memref<4096xf32, #tpu.memory_space<hbm>>
      %dma_start3A_628 = arith.constant 0 : i32
      %dma_start3A_629 = tpu.memref_slice %arg4[%add3A, %add3A_624, %dma_start3A_628] : memref<32x256x4096xf32, #tpu.memory_space<hbm>> -> memref<1x1x4096xf32, #tpu.memory_space<hbm>>
      %dma_start3A_630 = tpu.memref_squeeze %dma_start3A_629 : memref<1x1x4096xf32, #tpu.memory_space<hbm>> -> memref<4096xf32, #tpu.memory_space<hbm>>
      tpu.enqueue_dma source(%arg26 : memref<4096xf32, #tpu.memory_space<vmem>>) target(%dma_start3A_630 : memref<4096xf32, #tpu.memory_space<hbm>>) target_semaphore(%arg35 : memref<!tpu.dma_semaphore, #tpu.memory_space<semaphore_mem>>)
      %mul3A_631 = arith.constant 4 : i32
      %mul3A_632 = arith.muli %add3A_572, %mul3A_631 : i32
      %add3A_633 = arith.constant 1 : i32
      %add3A_634 = arith.addi %mul3A_632, %add3A_633 : i32
      %dma_start3A_635 = arith.constant 0 : i32
      %dma_start3A_636 = tpu.memref_slice %arg4[%add3A, %add3A_634, %dma_start3A_635] : memref<32x256x4096xf32, #tpu.memory_space<hbm>> -> memref<1x1x4096xf32, #tpu.memory_space<hbm>>
      %dma_start3A_637 = tpu.memref_squeeze %dma_start3A_636 : memref<1x1x4096xf32, #tpu.memory_space<hbm>> -> memref<4096xf32, #tpu.memory_space<hbm>>
      %dma_start3A_638 = arith.constant 0 : i32
      %dma_start3A_639 = tpu.memref_slice %arg4[%add3A, %add3A_634, %dma_start3A_638] : memref<32x256x4096xf32, #tpu.memory_space<hbm>> -> memref<1x1x4096xf32, #tpu.memory_space<hbm>>
      %dma_start3A_640 = tpu.memref_squeeze %dma_start3A_639 : memref<1x1x4096xf32, #tpu.memory_space<hbm>> -> memref<4096xf32, #tpu.memory_space<hbm>>
      tpu.enqueue_dma source(%arg27 : memref<4096xf32, #tpu.memory_space<vmem>>) target(%dma_start3A_640 : memref<4096xf32, #tpu.memory_space<hbm>>) target_semaphore(%arg35 : memref<!tpu.dma_semaphore, #tpu.memory_space<semaphore_mem>>)
      %mul3A_641 = arith.constant 4 : i32
      %mul3A_642 = arith.muli %add3A_572, %mul3A_641 : i32
      %add3A_643 = arith.constant 2 : i32
      %add3A_644 = arith.addi %mul3A_642, %add3A_643 : i32
      %dma_start3A_645 = arith.constant 0 : i32
      %dma_start3A_646 = tpu.memref_slice %arg4[%add3A, %add3A_644, %dma_start3A_645] : memref<32x256x4096xf32, #tpu.memory_space<hbm>> -> memref<1x1x4096xf32, #tpu.memory_space<hbm>>
      %dma_start3A_647 = tpu.memref_squeeze %dma_start3A_646 : memref<1x1x4096xf32, #tpu.memory_space<hbm>> -> memref<4096xf32, #tpu.memory_space<hbm>>
      %dma_start3A_648 = arith.constant 0 : i32
      %dma_start3A_649 = tpu.memref_slice %arg4[%add3A, %add3A_644, %dma_start3A_648] : memref<32x256x4096xf32, #tpu.memory_space<hbm>> -> memref<1x1x4096xf32, #tpu.memory_space<hbm>>
      %dma_start3A_650 = tpu.memref_squeeze %dma_start3A_649 : memref<1x1x4096xf32, #tpu.memory_space<hbm>> -> memref<4096xf32, #tpu.memory_space<hbm>>
      tpu.enqueue_dma source(%arg28 : memref<4096xf32, #tpu.memory_space<vmem>>) target(%dma_start3A_650 : memref<4096xf32, #tpu.memory_space<hbm>>) target_semaphore(%arg35 : memref<!tpu.dma_semaphore, #tpu.memory_space<semaphore_mem>>)
      %mul3A_651 = arith.constant 4 : i32
      %mul3A_652 = arith.muli %add3A_572, %mul3A_651 : i32
      %add3A_653 = arith.constant 3 : i32
      %add3A_654 = arith.addi %mul3A_652, %add3A_653 : i32
      %dma_start3A_655 = arith.constant 0 : i32
      %dma_start3A_656 = tpu.memref_slice %arg4[%add3A, %add3A_654, %dma_start3A_655] : memref<32x256x4096xf32, #tpu.memory_space<hbm>> -> memref<1x1x4096xf32, #tpu.memory_space<hbm>>
      %dma_start3A_657 = tpu.memref_squeeze %dma_start3A_656 : memref<1x1x4096xf32, #tpu.memory_space<hbm>> -> memref<4096xf32, #tpu.memory_space<hbm>>
      %dma_start3A_658 = arith.constant 0 : i32
      %dma_start3A_659 = tpu.memref_slice %arg4[%add3A, %add3A_654, %dma_start3A_658] : memref<32x256x4096xf32, #tpu.memory_space<hbm>> -> memref<1x1x4096xf32, #tpu.memory_space<hbm>>
      %dma_start3A_660 = tpu.memref_squeeze %dma_start3A_659 : memref<1x1x4096xf32, #tpu.memory_space<hbm>> -> memref<4096xf32, #tpu.memory_space<hbm>>
      tpu.enqueue_dma source(%arg29 : memref<4096xf32, #tpu.memory_space<vmem>>) target(%dma_start3A_660 : memref<4096xf32, #tpu.memory_space<hbm>>) target_semaphore(%arg35 : memref<!tpu.dma_semaphore, #tpu.memory_space<semaphore_mem>>)
      %add3A_661 = arith.constant 3 : i32
      %add3A_662 = arith.addi %add3A_572, %add3A_661 : i32
      %lt3A_663 = arith.constant 64 : i32
      %lt3A_664 = arith.cmpi slt, %add3A_662, %lt3A_663 : i32
      %convert_element_type3A_665 = arith.extui %lt3A_664 : i1 to i32
      %cond3A_666 = arith.constant 0 : i32
      %cond3A_667 = arith.cmpi ne, %convert_element_type3A_665, %cond3A_666 : i32
      scf.if %cond3A_667 {
        %add3A_668 = arith.constant 3 : i32
        %add3A_669 = arith.addi %add3A_572, %add3A_668 : i32
        %mul3A_670 = arith.constant 4 : i32
        %mul3A_671 = arith.muli %add3A_669, %mul3A_670 : i32
        %add3A_672 = arith.constant 0 : i32
        %add3A_673 = arith.addi %mul3A_671, %add3A_672 : i32
        %dma_start3A_674 = arith.constant 0 : i32
        %dma_start3A_675 = tpu.memref_slice %arg2[%add3A, %add3A_673, %dma_start3A_674] : memref<32x256x4096xf32, #tpu.memory_space<hbm>> -> memref<1x1x4096xf32, #tpu.memory_space<hbm>>
        %dma_start3A_676 = tpu.memref_squeeze %dma_start3A_675 : memref<1x1x4096xf32, #tpu.memory_space<hbm>> -> memref<4096xf32, #tpu.memory_space<hbm>>
        %dma_start3A_677 = arith.constant 0 : i32
        %dma_start3A_678 = tpu.memref_slice %arg2[%add3A, %add3A_673, %dma_start3A_677] : memref<32x256x4096xf32, #tpu.memory_space<hbm>> -> memref<1x1x4096xf32, #tpu.memory_space<hbm>>
        %dma_start3A_679 = tpu.memref_squeeze %dma_start3A_678 : memref<1x1x4096xf32, #tpu.memory_space<hbm>> -> memref<4096xf32, #tpu.memory_space<hbm>>
        tpu.enqueue_dma source(%dma_start3A_679 : memref<4096xf32, #tpu.memory_space<hbm>>) target(%arg14 : memref<4096xf32, #tpu.memory_space<vmem>>) target_semaphore(%arg32 : memref<!tpu.dma_semaphore, #tpu.memory_space<semaphore_mem>>)
        %add3A_680 = arith.constant 3 : i32
        %add3A_681 = arith.addi %add3A_572, %add3A_680 : i32
        %mul3A_682 = arith.constant 4 : i32
        %mul3A_683 = arith.muli %add3A_681, %mul3A_682 : i32
        %add3A_684 = arith.constant 1 : i32
        %add3A_685 = arith.addi %mul3A_683, %add3A_684 : i32
        %dma_start3A_686 = arith.constant 0 : i32
        %dma_start3A_687 = tpu.memref_slice %arg2[%add3A, %add3A_685, %dma_start3A_686] : memref<32x256x4096xf32, #tpu.memory_space<hbm>> -> memref<1x1x4096xf32, #tpu.memory_space<hbm>>
        %dma_start3A_688 = tpu.memref_squeeze %dma_start3A_687 : memref<1x1x4096xf32, #tpu.memory_space<hbm>> -> memref<4096xf32, #tpu.memory_space<hbm>>
        %dma_start3A_689 = arith.constant 0 : i32
        %dma_start3A_690 = tpu.memref_slice %arg2[%add3A, %add3A_685, %dma_start3A_689] : memref<32x256x4096xf32, #tpu.memory_space<hbm>> -> memref<1x1x4096xf32, #tpu.memory_space<hbm>>
        %dma_start3A_691 = tpu.memref_squeeze %dma_start3A_690 : memref<1x1x4096xf32, #tpu.memory_space<hbm>> -> memref<4096xf32, #tpu.memory_space<hbm>>
        tpu.enqueue_dma source(%dma_start3A_691 : memref<4096xf32, #tpu.memory_space<hbm>>) target(%arg15 : memref<4096xf32, #tpu.memory_space<vmem>>) target_semaphore(%arg32 : memref<!tpu.dma_semaphore, #tpu.memory_space<semaphore_mem>>)
        %add3A_692 = arith.constant 3 : i32
        %add3A_693 = arith.addi %add3A_572, %add3A_692 : i32
        %mul3A_694 = arith.constant 4 : i32
        %mul3A_695 = arith.muli %add3A_693, %mul3A_694 : i32
        %add3A_696 = arith.constant 2 : i32
        %add3A_697 = arith.addi %mul3A_695, %add3A_696 : i32
        %dma_start3A_698 = arith.constant 0 : i32
        %dma_start3A_699 = tpu.memref_slice %arg2[%add3A, %add3A_697, %dma_start3A_698] : memref<32x256x4096xf32, #tpu.memory_space<hbm>> -> memref<1x1x4096xf32, #tpu.memory_space<hbm>>
        %dma_start3A_700 = tpu.memref_squeeze %dma_start3A_699 : memref<1x1x4096xf32, #tpu.memory_space<hbm>> -> memref<4096xf32, #tpu.memory_space<hbm>>
        %dma_start3A_701 = arith.constant 0 : i32
        %dma_start3A_702 = tpu.memref_slice %arg2[%add3A, %add3A_697, %dma_start3A_701] : memref<32x256x4096xf32, #tpu.memory_space<hbm>> -> memref<1x1x4096xf32, #tpu.memory_space<hbm>>
        %dma_start3A_703 = tpu.memref_squeeze %dma_start3A_702 : memref<1x1x4096xf32, #tpu.memory_space<hbm>> -> memref<4096xf32, #tpu.memory_space<hbm>>
        tpu.enqueue_dma source(%dma_start3A_703 : memref<4096xf32, #tpu.memory_space<hbm>>) target(%arg16 : memref<4096xf32, #tpu.memory_space<vmem>>) target_semaphore(%arg32 : memref<!tpu.dma_semaphore, #tpu.memory_space<semaphore_mem>>)
        %add3A_704 = arith.constant 3 : i32
        %add3A_705 = arith.addi %add3A_572, %add3A_704 : i32
        %mul3A_706 = arith.constant 4 : i32
        %mul3A_707 = arith.muli %add3A_705, %mul3A_706 : i32
        %add3A_708 = arith.constant 3 : i32
        %add3A_709 = arith.addi %mul3A_707, %add3A_708 : i32
        %dma_start3A_710 = arith.constant 0 : i32
        %dma_start3A_711 = tpu.memref_slice %arg2[%add3A, %add3A_709, %dma_start3A_710] : memref<32x256x4096xf32, #tpu.memory_space<hbm>> -> memref<1x1x4096xf32, #tpu.memory_space<hbm>>
        %dma_start3A_712 = tpu.memref_squeeze %dma_start3A_711 : memref<1x1x4096xf32, #tpu.memory_space<hbm>> -> memref<4096xf32, #tpu.memory_space<hbm>>
        %dma_start3A_713 = arith.constant 0 : i32
        %dma_start3A_714 = tpu.memref_slice %arg2[%add3A, %add3A_709, %dma_start3A_713] : memref<32x256x4096xf32, #tpu.memory_space<hbm>> -> memref<1x1x4096xf32, #tpu.memory_space<hbm>>
        %dma_start3A_715 = tpu.memref_squeeze %dma_start3A_714 : memref<1x1x4096xf32, #tpu.memory_space<hbm>> -> memref<4096xf32, #tpu.memory_space<hbm>>
        tpu.enqueue_dma source(%dma_start3A_715 : memref<4096xf32, #tpu.memory_space<hbm>>) target(%arg17 : memref<4096xf32, #tpu.memory_space<vmem>>) target_semaphore(%arg32 : memref<!tpu.dma_semaphore, #tpu.memory_space<semaphore_mem>>)
      } else {
      }
    }
    %scan3A_136 = arith.constant 21 : i32
    %mul3A_137 = arith.constant 63 : i32
    %mul3A_138 = arith.constant 4 : i32
    %mul3A_139 = arith.muli %mul3A_137, %mul3A_138 : i32
    %add3A_140 = arith.constant 0 : i32
    %add3A_141 = arith.addi %mul3A_139, %add3A_140 : i32
    %dma_wait3A = arith.constant 0 : i32
    %dma_wait3A_142 = tpu.memref_slice %arg2[%add3A, %add3A_141, %dma_wait3A] : memref<32x256x4096xf32, #tpu.memory_space<hbm>> -> memref<1x1x4096xf32, #tpu.memory_space<hbm>>
    %dma_wait3A_143 = tpu.memref_squeeze %dma_wait3A_142 : memref<1x1x4096xf32, #tpu.memory_space<hbm>> -> memref<4096xf32, #tpu.memory_space<hbm>>
    %dma_wait3A_144 = arith.constant 0 : i32
    %dma_wait3A_145 = tpu.memref_slice %arg2[%add3A, %add3A_141, %dma_wait3A_144] : memref<32x256x4096xf32, #tpu.memory_space<hbm>> -> memref<1x1x4096xf32, #tpu.memory_space<hbm>>
    %dma_wait3A_146 = tpu.memref_squeeze %dma_wait3A_145 : memref<1x1x4096xf32, #tpu.memory_space<hbm>> -> memref<4096xf32, #tpu.memory_space<hbm>>
    tpu.wait_dma2 semaphore(%arg30 : memref<!tpu.dma_semaphore, #tpu.memory_space<semaphore_mem>>) src(%dma_wait3A_146 : memref<4096xf32, #tpu.memory_space<hbm>>) dst(%arg6 : memref<4096xf32, #tpu.memory_space<vmem>>)
    %mul3A_147 = arith.constant 63 : i32
    %mul3A_148 = arith.constant 4 : i32
    %mul3A_149 = arith.muli %mul3A_147, %mul3A_148 : i32
    %add3A_150 = arith.constant 1 : i32
    %add3A_151 = arith.addi %mul3A_149, %add3A_150 : i32
    %dma_wait3A_152 = arith.constant 0 : i32
    %dma_wait3A_153 = tpu.memref_slice %arg2[%add3A, %add3A_151, %dma_wait3A_152] : memref<32x256x4096xf32, #tpu.memory_space<hbm>> -> memref<1x1x4096xf32, #tpu.memory_space<hbm>>
    %dma_wait3A_154 = tpu.memref_squeeze %dma_wait3A_153 : memref<1x1x4096xf32, #tpu.memory_space<hbm>> -> memref<4096xf32, #tpu.memory_space<hbm>>
    %dma_wait3A_155 = arith.constant 0 : i32
    %dma_wait3A_156 = tpu.memref_slice %arg2[%add3A, %add3A_151, %dma_wait3A_155] : memref<32x256x4096xf32, #tpu.memory_space<hbm>> -> memref<1x1x4096xf32, #tpu.memory_space<hbm>>
    %dma_wait3A_157 = tpu.memref_squeeze %dma_wait3A_156 : memref<1x1x4096xf32, #tpu.memory_space<hbm>> -> memref<4096xf32, #tpu.memory_space<hbm>>
    tpu.wait_dma2 semaphore(%arg30 : memref<!tpu.dma_semaphore, #tpu.memory_space<semaphore_mem>>) src(%dma_wait3A_157 : memref<4096xf32, #tpu.memory_space<hbm>>) dst(%arg7 : memref<4096xf32, #tpu.memory_space<vmem>>)
    %mul3A_158 = arith.constant 63 : i32
    %mul3A_159 = arith.constant 4 : i32
    %mul3A_160 = arith.muli %mul3A_158, %mul3A_159 : i32
    %add3A_161 = arith.constant 2 : i32
    %add3A_162 = arith.addi %mul3A_160, %add3A_161 : i32
    %dma_wait3A_163 = arith.constant 0 : i32
    %dma_wait3A_164 = tpu.memref_slice %arg2[%add3A, %add3A_162, %dma_wait3A_163] : memref<32x256x4096xf32, #tpu.memory_space<hbm>> -> memref<1x1x4096xf32, #tpu.memory_space<hbm>>
    %dma_wait3A_165 = tpu.memref_squeeze %dma_wait3A_164 : memref<1x1x4096xf32, #tpu.memory_space<hbm>> -> memref<4096xf32, #tpu.memory_space<hbm>>
    %dma_wait3A_166 = arith.constant 0 : i32
    %dma_wait3A_167 = tpu.memref_slice %arg2[%add3A, %add3A_162, %dma_wait3A_166] : memref<32x256x4096xf32, #tpu.memory_space<hbm>> -> memref<1x1x4096xf32, #tpu.memory_space<hbm>>
    %dma_wait3A_168 = tpu.memref_squeeze %dma_wait3A_167 : memref<1x1x4096xf32, #tpu.memory_space<hbm>> -> memref<4096xf32, #tpu.memory_space<hbm>>
    tpu.wait_dma2 semaphore(%arg30 : memref<!tpu.dma_semaphore, #tpu.memory_space<semaphore_mem>>) src(%dma_wait3A_168 : memref<4096xf32, #tpu.memory_space<hbm>>) dst(%arg8 : memref<4096xf32, #tpu.memory_space<vmem>>)
    %mul3A_169 = arith.constant 63 : i32
    %mul3A_170 = arith.constant 4 : i32
    %mul3A_171 = arith.muli %mul3A_169, %mul3A_170 : i32
    %add3A_172 = arith.constant 3 : i32
    %add3A_173 = arith.addi %mul3A_171, %add3A_172 : i32
    %dma_wait3A_174 = arith.constant 0 : i32
    %dma_wait3A_175 = tpu.memref_slice %arg2[%add3A, %add3A_173, %dma_wait3A_174] : memref<32x256x4096xf32, #tpu.memory_space<hbm>> -> memref<1x1x4096xf32, #tpu.memory_space<hbm>>
    %dma_wait3A_176 = tpu.memref_squeeze %dma_wait3A_175 : memref<1x1x4096xf32, #tpu.memory_space<hbm>> -> memref<4096xf32, #tpu.memory_space<hbm>>
    %dma_wait3A_177 = arith.constant 0 : i32
    %dma_wait3A_178 = tpu.memref_slice %arg2[%add3A, %add3A_173, %dma_wait3A_177] : memref<32x256x4096xf32, #tpu.memory_space<hbm>> -> memref<1x1x4096xf32, #tpu.memory_space<hbm>>
    %dma_wait3A_179 = tpu.memref_squeeze %dma_wait3A_178 : memref<1x1x4096xf32, #tpu.memory_space<hbm>> -> memref<4096xf32, #tpu.memory_space<hbm>>
    tpu.wait_dma2 semaphore(%arg30 : memref<!tpu.dma_semaphore, #tpu.memory_space<semaphore_mem>>) src(%dma_wait3A_179 : memref<4096xf32, #tpu.memory_space<hbm>>) dst(%arg9 : memref<4096xf32, #tpu.memory_space<vmem>>)
    %ge3A = arith.constant 63 : i32
    %ge3A_180 = arith.constant 3 : i32
    %ge3A_181 = arith.cmpi sge, %ge3A, %ge3A_180 : i32
    %convert_element_type3A = arith.extui %ge3A_181 : i1 to i32
    %cond3A = arith.constant 63 : i32
    %cond3A_182 = arith.constant 0 : i32
    %cond3A_183 = arith.cmpi ne, %convert_element_type3A, %cond3A_182 : i32
    scf.if %cond3A_183 {
      %sub3A = arith.constant 3 : i32
      %sub3A_370 = arith.subi %cond3A, %sub3A : i32
      %mul3A_371 = arith.constant 4 : i32
      %mul3A_372 = arith.muli %sub3A_370, %mul3A_371 : i32
      %add3A_373 = arith.constant 0 : i32
      %add3A_374 = arith.addi %mul3A_372, %add3A_373 : i32
      %dma_wait3A_375 = arith.constant 0 : i32
      %dma_wait3A_376 = tpu.memref_slice %arg4[%add3A, %add3A_374, %dma_wait3A_375] : memref<32x256x4096xf32, #tpu.memory_space<hbm>> -> memref<1x1x4096xf32, #tpu.memory_space<hbm>>
      %dma_wait3A_377 = tpu.memref_squeeze %dma_wait3A_376 : memref<1x1x4096xf32, #tpu.memory_space<hbm>> -> memref<4096xf32, #tpu.memory_space<hbm>>
      %dma_wait3A_378 = arith.constant 0 : i32
      %dma_wait3A_379 = tpu.memref_slice %arg4[%add3A, %add3A_374, %dma_wait3A_378] : memref<32x256x4096xf32, #tpu.memory_space<hbm>> -> memref<1x1x4096xf32, #tpu.memory_space<hbm>>
      %dma_wait3A_380 = tpu.memref_squeeze %dma_wait3A_379 : memref<1x1x4096xf32, #tpu.memory_space<hbm>> -> memref<4096xf32, #tpu.memory_space<hbm>>
      tpu.wait_dma2 semaphore(%arg33 : memref<!tpu.dma_semaphore, #tpu.memory_space<semaphore_mem>>) src(%arg18 : memref<4096xf32, #tpu.memory_space<vmem>>) dst(%dma_wait3A_380 : memref<4096xf32, #tpu.memory_space<hbm>>)
      %sub3A_381 = arith.constant 3 : i32
      %sub3A_382 = arith.subi %cond3A, %sub3A_381 : i32
      %mul3A_383 = arith.constant 4 : i32
      %mul3A_384 = arith.muli %sub3A_382, %mul3A_383 : i32
      %add3A_385 = arith.constant 1 : i32
      %add3A_386 = arith.addi %mul3A_384, %add3A_385 : i32
      %dma_wait3A_387 = arith.constant 0 : i32
      %dma_wait3A_388 = tpu.memref_slice %arg4[%add3A, %add3A_386, %dma_wait3A_387] : memref<32x256x4096xf32, #tpu.memory_space<hbm>> -> memref<1x1x4096xf32, #tpu.memory_space<hbm>>
      %dma_wait3A_389 = tpu.memref_squeeze %dma_wait3A_388 : memref<1x1x4096xf32, #tpu.memory_space<hbm>> -> memref<4096xf32, #tpu.memory_space<hbm>>
      %dma_wait3A_390 = arith.constant 0 : i32
      %dma_wait3A_391 = tpu.memref_slice %arg4[%add3A, %add3A_386, %dma_wait3A_390] : memref<32x256x4096xf32, #tpu.memory_space<hbm>> -> memref<1x1x4096xf32, #tpu.memory_space<hbm>>
      %dma_wait3A_392 = tpu.memref_squeeze %dma_wait3A_391 : memref<1x1x4096xf32, #tpu.memory_space<hbm>> -> memref<4096xf32, #tpu.memory_space<hbm>>
      tpu.wait_dma2 semaphore(%arg33 : memref<!tpu.dma_semaphore, #tpu.memory_space<semaphore_mem>>) src(%arg19 : memref<4096xf32, #tpu.memory_space<vmem>>) dst(%dma_wait3A_392 : memref<4096xf32, #tpu.memory_space<hbm>>)
      %sub3A_393 = arith.constant 3 : i32
      %sub3A_394 = arith.subi %cond3A, %sub3A_393 : i32
      %mul3A_395 = arith.constant 4 : i32
      %mul3A_396 = arith.muli %sub3A_394, %mul3A_395 : i32
      %add3A_397 = arith.constant 2 : i32
      %add3A_398 = arith.addi %mul3A_396, %add3A_397 : i32
      %dma_wait3A_399 = arith.constant 0 : i32
      %dma_wait3A_400 = tpu.memref_slice %arg4[%add3A, %add3A_398, %dma_wait3A_399] : memref<32x256x4096xf32, #tpu.memory_space<hbm>> -> memref<1x1x4096xf32, #tpu.memory_space<hbm>>
      %dma_wait3A_401 = tpu.memref_squeeze %dma_wait3A_400 : memref<1x1x4096xf32, #tpu.memory_space<hbm>> -> memref<4096xf32, #tpu.memory_space<hbm>>
      %dma_wait3A_402 = arith.constant 0 : i32
      %dma_wait3A_403 = tpu.memref_slice %arg4[%add3A, %add3A_398, %dma_wait3A_402] : memref<32x256x4096xf32, #tpu.memory_space<hbm>> -> memref<1x1x4096xf32, #tpu.memory_space<hbm>>
      %dma_wait3A_404 = tpu.memref_squeeze %dma_wait3A_403 : memref<1x1x4096xf32, #tpu.memory_space<hbm>> -> memref<4096xf32, #tpu.memory_space<hbm>>
      tpu.wait_dma2 semaphore(%arg33 : memref<!tpu.dma_semaphore, #tpu.memory_space<semaphore_mem>>) src(%arg20 : memref<4096xf32, #tpu.memory_space<vmem>>) dst(%dma_wait3A_404 : memref<4096xf32, #tpu.memory_space<hbm>>)
      %sub3A_405 = arith.constant 3 : i32
      %sub3A_406 = arith.subi %cond3A, %sub3A_405 : i32
      %mul3A_407 = arith.constant 4 : i32
      %mul3A_408 = arith.muli %sub3A_406, %mul3A_407 : i32
      %add3A_409 = arith.constant 3 : i32
      %add3A_410 = arith.addi %mul3A_408, %add3A_409 : i32
      %dma_wait3A_411 = arith.constant 0 : i32
      %dma_wait3A_412 = tpu.memref_slice %arg4[%add3A, %add3A_410, %dma_wait3A_411] : memref<32x256x4096xf32, #tpu.memory_space<hbm>> -> memref<1x1x4096xf32, #tpu.memory_space<hbm>>
      %dma_wait3A_413 = tpu.memref_squeeze %dma_wait3A_412 : memref<1x1x4096xf32, #tpu.memory_space<hbm>> -> memref<4096xf32, #tpu.memory_space<hbm>>
      %dma_wait3A_414 = arith.constant 0 : i32
      %dma_wait3A_415 = tpu.memref_slice %arg4[%add3A, %add3A_410, %dma_wait3A_414] : memref<32x256x4096xf32, #tpu.memory_space<hbm>> -> memref<1x1x4096xf32, #tpu.memory_space<hbm>>
      %dma_wait3A_416 = tpu.memref_squeeze %dma_wait3A_415 : memref<1x1x4096xf32, #tpu.memory_space<hbm>> -> memref<4096xf32, #tpu.memory_space<hbm>>
      tpu.wait_dma2 semaphore(%arg33 : memref<!tpu.dma_semaphore, #tpu.memory_space<semaphore_mem>>) src(%arg21 : memref<4096xf32, #tpu.memory_space<vmem>>) dst(%dma_wait3A_416 : memref<4096xf32, #tpu.memory_space<hbm>>)
    } else {
    }
    %parallel_loop3A = arith.constant 0 : i32
    %parallel_loop3A_184 = arith.constant 4096 : i32
    %parallel_loop3A_185 = arith.constant 16 : i32
    scf.for %parallel_loop3A_370 = %parallel_loop3A to %parallel_loop3A_184 step %parallel_loop3A_185  : i32 {
      %parallel_loop3A_371 = arith.index_cast %parallel_loop3A_370 : i32 to index
      %parallel_loop3A_372 = tpu.vector_load %arg5[%parallel_loop3A_371] {strides = array<i32>} : memref<4096xi32, #tpu.memory_space<vmem>>, vector<16xi32>,
      %parallel_loop3A_373 = tpu.vector_load_idx %arg6[%parallel_loop3A_372] : memref<4096xf32, #tpu.memory_space<vmem>>[vector<16xi32>], vector<16xf32>,
      %parallel_loop3A_374 = arith.index_cast %parallel_loop3A_370 : i32 to index
      %parallel_loop3A_375 = tpu.vector_load %arg18[%parallel_loop3A_374] {strides = array<i32>} : memref<4096xf32, #tpu.memory_space<vmem>>, vector<16xf32>,
      tpu.vector_store %arg18[%parallel_loop3A_374], %parallel_loop3A_373 {strides = array<i32>} : memref<4096xf32, #tpu.memory_space<vmem>>, vector<16xf32>,
      %parallel_loop3A_376 = tpu.vector_load_idx %arg7[%parallel_loop3A_372] : memref<4096xf32, #tpu.memory_space<vmem>>[vector<16xi32>], vector<16xf32>,
      %parallel_loop3A_377 = arith.index_cast %parallel_loop3A_370 : i32 to index
      %parallel_loop3A_378 = tpu.vector_load %arg19[%parallel_loop3A_377] {strides = array<i32>} : memref<4096xf32, #tpu.memory_space<vmem>>, vector<16xf32>,
      tpu.vector_store %arg19[%parallel_loop3A_377], %parallel_loop3A_376 {strides = array<i32>} : memref<4096xf32, #tpu.memory_space<vmem>>, vector<16xf32>,
      %parallel_loop3A_379 = tpu.vector_load_idx %arg8[%parallel_loop3A_372] : memref<4096xf32, #tpu.memory_space<vmem>>[vector<16xi32>], vector<16xf32>,
      %parallel_loop3A_380 = arith.index_cast %parallel_loop3A_370 : i32 to index
      %parallel_loop3A_381 = tpu.vector_load %arg20[%parallel_loop3A_380] {strides = array<i32>} : memref<4096xf32, #tpu.memory_space<vmem>>, vector<16xf32>,
      tpu.vector_store %arg20[%parallel_loop3A_380], %parallel_loop3A_379 {strides = array<i32>} : memref<4096xf32, #tpu.memory_space<vmem>>, vector<16xf32>,
      %parallel_loop3A_382 = tpu.vector_load_idx %arg9[%parallel_loop3A_372] : memref<4096xf32, #tpu.memory_space<vmem>>[vector<16xi32>], vector<16xf32>,
      %parallel_loop3A_383 = arith.index_cast %parallel_loop3A_370 : i32 to index
      %parallel_loop3A_384 = tpu.vector_load %arg21[%parallel_loop3A_383] {strides = array<i32>} : memref<4096xf32, #tpu.memory_space<vmem>>, vector<16xf32>,
      tpu.vector_store %arg21[%parallel_loop3A_383], %parallel_loop3A_382 {strides = array<i32>} : memref<4096xf32, #tpu.memory_space<vmem>>, vector<16xf32>,
    } {sc.loop_unroll_factor = 4 : i64, sc.parallel_access}
    %mul3A_186 = arith.constant 63 : i32
    %mul3A_187 = arith.constant 4 : i32
    %mul3A_188 = arith.muli %mul3A_186, %mul3A_187 : i32
    %add3A_189 = arith.constant 0 : i32
    %add3A_190 = arith.addi %mul3A_188, %add3A_189 : i32
    %dma_start3A_191 = arith.constant 0 : i32
    %dma_start3A_192 = tpu.memref_slice %arg4[%add3A, %add3A_190, %dma_start3A_191] : memref<32x256x4096xf32, #tpu.memory_space<hbm>> -> memref<1x1x4096xf32, #tpu.memory_space<hbm>>
    %dma_start3A_193 = tpu.memref_squeeze %dma_start3A_192 : memref<1x1x4096xf32, #tpu.memory_space<hbm>> -> memref<4096xf32, #tpu.memory_space<hbm>>
    %dma_start3A_194 = arith.constant 0 : i32
    %dma_start3A_195 = tpu.memref_slice %arg4[%add3A, %add3A_190, %dma_start3A_194] : memref<32x256x4096xf32, #tpu.memory_space<hbm>> -> memref<1x1x4096xf32, #tpu.memory_space<hbm>>
    %dma_start3A_196 = tpu.memref_squeeze %dma_start3A_195 : memref<1x1x4096xf32, #tpu.memory_space<hbm>> -> memref<4096xf32, #tpu.memory_space<hbm>>
    tpu.enqueue_dma source(%arg18 : memref<4096xf32, #tpu.memory_space<vmem>>) target(%dma_start3A_196 : memref<4096xf32, #tpu.memory_space<hbm>>) target_semaphore(%arg33 : memref<!tpu.dma_semaphore, #tpu.memory_space<semaphore_mem>>)
    %mul3A_197 = arith.constant 63 : i32
    %mul3A_198 = arith.constant 4 : i32
    %mul3A_199 = arith.muli %mul3A_197, %mul3A_198 : i32
    %add3A_200 = arith.constant 1 : i32
    %add3A_201 = arith.addi %mul3A_199, %add3A_200 : i32
    %dma_start3A_202 = arith.constant 0 : i32
    %dma_start3A_203 = tpu.memref_slice %arg4[%add3A, %add3A_201, %dma_start3A_202] : memref<32x256x4096xf32, #tpu.memory_space<hbm>> -> memref<1x1x4096xf32, #tpu.memory_space<hbm>>
    %dma_start3A_204 = tpu.memref_squeeze %dma_start3A_203 : memref<1x1x4096xf32, #tpu.memory_space<hbm>> -> memref<4096xf32, #tpu.memory_space<hbm>>
    %dma_start3A_205 = arith.constant 0 : i32
    %dma_start3A_206 = tpu.memref_slice %arg4[%add3A, %add3A_201, %dma_start3A_205] : memref<32x256x4096xf32, #tpu.memory_space<hbm>> -> memref<1x1x4096xf32, #tpu.memory_space<hbm>>
    %dma_start3A_207 = tpu.memref_squeeze %dma_start3A_206 : memref<1x1x4096xf32, #tpu.memory_space<hbm>> -> memref<4096xf32, #tpu.memory_space<hbm>>
    tpu.enqueue_dma source(%arg19 : memref<4096xf32, #tpu.memory_space<vmem>>) target(%dma_start3A_207 : memref<4096xf32, #tpu.memory_space<hbm>>) target_semaphore(%arg33 : memref<!tpu.dma_semaphore, #tpu.memory_space<semaphore_mem>>)
    %mul3A_208 = arith.constant 63 : i32
    %mul3A_209 = arith.constant 4 : i32
    %mul3A_210 = arith.muli %mul3A_208, %mul3A_209 : i32
    %add3A_211 = arith.constant 2 : i32
    %add3A_212 = arith.addi %mul3A_210, %add3A_211 : i32
    %dma_start3A_213 = arith.constant 0 : i32
    %dma_start3A_214 = tpu.memref_slice %arg4[%add3A, %add3A_212, %dma_start3A_213] : memref<32x256x4096xf32, #tpu.memory_space<hbm>> -> memref<1x1x4096xf32, #tpu.memory_space<hbm>>
    %dma_start3A_215 = tpu.memref_squeeze %dma_start3A_214 : memref<1x1x4096xf32, #tpu.memory_space<hbm>> -> memref<4096xf32, #tpu.memory_space<hbm>>
    %dma_start3A_216 = arith.constant 0 : i32
    %dma_start3A_217 = tpu.memref_slice %arg4[%add3A, %add3A_212, %dma_start3A_216] : memref<32x256x4096xf32, #tpu.memory_space<hbm>> -> memref<1x1x4096xf32, #tpu.memory_space<hbm>>
    %dma_start3A_218 = tpu.memref_squeeze %dma_start3A_217 : memref<1x1x4096xf32, #tpu.memory_space<hbm>> -> memref<4096xf32, #tpu.memory_space<hbm>>
    tpu.enqueue_dma source(%arg20 : memref<4096xf32, #tpu.memory_space<vmem>>) target(%dma_start3A_218 : memref<4096xf32, #tpu.memory_space<hbm>>) target_semaphore(%arg33 : memref<!tpu.dma_semaphore, #tpu.memory_space<semaphore_mem>>)
    %mul3A_219 = arith.constant 63 : i32
    %mul3A_220 = arith.constant 4 : i32
    %mul3A_221 = arith.muli %mul3A_219, %mul3A_220 : i32
    %add3A_222 = arith.constant 3 : i32
    %add3A_223 = arith.addi %mul3A_221, %add3A_222 : i32
    %dma_start3A_224 = arith.constant 0 : i32
    %dma_start3A_225 = tpu.memref_slice %arg4[%add3A, %add3A_223, %dma_start3A_224] : memref<32x256x4096xf32, #tpu.memory_space<hbm>> -> memref<1x1x4096xf32, #tpu.memory_space<hbm>>
    %dma_start3A_226 = tpu.memref_squeeze %dma_start3A_225 : memref<1x1x4096xf32, #tpu.memory_space<hbm>> -> memref<4096xf32, #tpu.memory_space<hbm>>
    %dma_start3A_227 = arith.constant 0 : i32
    %dma_start3A_228 = tpu.memref_slice %arg4[%add3A, %add3A_223, %dma_start3A_227] : memref<32x256x4096xf32, #tpu.memory_space<hbm>> -> memref<1x1x4096xf32, #tpu.memory_space<hbm>>
    %dma_start3A_229 = tpu.memref_squeeze %dma_start3A_228 : memref<1x1x4096xf32, #tpu.memory_space<hbm>> -> memref<4096xf32, #tpu.memory_space<hbm>>
    tpu.enqueue_dma source(%arg21 : memref<4096xf32, #tpu.memory_space<vmem>>) target(%dma_start3A_229 : memref<4096xf32, #tpu.memory_space<hbm>>) target_semaphore(%arg33 : memref<!tpu.dma_semaphore, #tpu.memory_space<semaphore_mem>>)
    %add3A_230 = arith.constant 63 : i32
    %add3A_231 = arith.constant 3 : i32
    %add3A_232 = arith.addi %add3A_230, %add3A_231 : i32
    %lt3A = arith.constant 64 : i32
    %lt3A_233 = arith.cmpi slt, %add3A_232, %lt3A : i32
    %convert_element_type3A_234 = arith.extui %lt3A_233 : i1 to i32
    %cond3A_235 = arith.constant 63 : i32
    %cond3A_236 = arith.constant 0 : i32
    %cond3A_237 = arith.cmpi ne, %convert_element_type3A_234, %cond3A_236 : i32
    scf.if %cond3A_237 {
      %add3A_370 = arith.constant 3 : i32
      %add3A_371 = arith.addi %cond3A_235, %add3A_370 : i32
      %mul3A_372 = arith.constant 4 : i32
      %mul3A_373 = arith.muli %add3A_371, %mul3A_372 : i32
      %add3A_374 = arith.constant 0 : i32
      %add3A_375 = arith.addi %mul3A_373, %add3A_374 : i32
      %dma_start3A_376 = arith.constant 0 : i32
      %dma_start3A_377 = tpu.memref_slice %arg2[%add3A, %add3A_375, %dma_start3A_376] : memref<32x256x4096xf32, #tpu.memory_space<hbm>> -> memref<1x1x4096xf32, #tpu.memory_space<hbm>>
      %dma_start3A_378 = tpu.memref_squeeze %dma_start3A_377 : memref<1x1x4096xf32, #tpu.memory_space<hbm>> -> memref<4096xf32, #tpu.memory_space<hbm>>
      %dma_start3A_379 = arith.constant 0 : i32
      %dma_start3A_380 = tpu.memref_slice %arg2[%add3A, %add3A_375, %dma_start3A_379] : memref<32x256x4096xf32, #tpu.memory_space<hbm>> -> memref<1x1x4096xf32, #tpu.memory_space<hbm>>
      %dma_start3A_381 = tpu.memref_squeeze %dma_start3A_380 : memref<1x1x4096xf32, #tpu.memory_space<hbm>> -> memref<4096xf32, #tpu.memory_space<hbm>>
      tpu.enqueue_dma source(%dma_start3A_381 : memref<4096xf32, #tpu.memory_space<hbm>>) target(%arg6 : memref<4096xf32, #tpu.memory_space<vmem>>) target_semaphore(%arg30 : memref<!tpu.dma_semaphore, #tpu.memory_space<semaphore_mem>>)
      %add3A_382 = arith.constant 3 : i32
      %add3A_383 = arith.addi %cond3A_235, %add3A_382 : i32
      %mul3A_384 = arith.constant 4 : i32
      %mul3A_385 = arith.muli %add3A_383, %mul3A_384 : i32
      %add3A_386 = arith.constant 1 : i32
      %add3A_387 = arith.addi %mul3A_385, %add3A_386 : i32
      %dma_start3A_388 = arith.constant 0 : i32
      %dma_start3A_389 = tpu.memref_slice %arg2[%add3A, %add3A_387, %dma_start3A_388] : memref<32x256x4096xf32, #tpu.memory_space<hbm>> -> memref<1x1x4096xf32, #tpu.memory_space<hbm>>
      %dma_start3A_390 = tpu.memref_squeeze %dma_start3A_389 : memref<1x1x4096xf32, #tpu.memory_space<hbm>> -> memref<4096xf32, #tpu.memory_space<hbm>>
      %dma_start3A_391 = arith.constant 0 : i32
      %dma_start3A_392 = tpu.memref_slice %arg2[%add3A, %add3A_387, %dma_start3A_391] : memref<32x256x4096xf32, #tpu.memory_space<hbm>> -> memref<1x1x4096xf32, #tpu.memory_space<hbm>>
      %dma_start3A_393 = tpu.memref_squeeze %dma_start3A_392 : memref<1x1x4096xf32, #tpu.memory_space<hbm>> -> memref<4096xf32, #tpu.memory_space<hbm>>
      tpu.enqueue_dma source(%dma_start3A_393 : memref<4096xf32, #tpu.memory_space<hbm>>) target(%arg7 : memref<4096xf32, #tpu.memory_space<vmem>>) target_semaphore(%arg30 : memref<!tpu.dma_semaphore, #tpu.memory_space<semaphore_mem>>)
      %add3A_394 = arith.constant 3 : i32
      %add3A_395 = arith.addi %cond3A_235, %add3A_394 : i32
      %mul3A_396 = arith.constant 4 : i32
      %mul3A_397 = arith.muli %add3A_395, %mul3A_396 : i32
      %add3A_398 = arith.constant 2 : i32
      %add3A_399 = arith.addi %mul3A_397, %add3A_398 : i32
      %dma_start3A_400 = arith.constant 0 : i32
      %dma_start3A_401 = tpu.memref_slice %arg2[%add3A, %add3A_399, %dma_start3A_400] : memref<32x256x4096xf32, #tpu.memory_space<hbm>> -> memref<1x1x4096xf32, #tpu.memory_space<hbm>>
      %dma_start3A_402 = tpu.memref_squeeze %dma_start3A_401 : memref<1x1x4096xf32, #tpu.memory_space<hbm>> -> memref<4096xf32, #tpu.memory_space<hbm>>
      %dma_start3A_403 = arith.constant 0 : i32
      %dma_start3A_404 = tpu.memref_slice %arg2[%add3A, %add3A_399, %dma_start3A_403] : memref<32x256x4096xf32, #tpu.memory_space<hbm>> -> memref<1x1x4096xf32, #tpu.memory_space<hbm>>
      %dma_start3A_405 = tpu.memref_squeeze %dma_start3A_404 : memref<1x1x4096xf32, #tpu.memory_space<hbm>> -> memref<4096xf32, #tpu.memory_space<hbm>>
      tpu.enqueue_dma source(%dma_start3A_405 : memref<4096xf32, #tpu.memory_space<hbm>>) target(%arg8 : memref<4096xf32, #tpu.memory_space<vmem>>) target_semaphore(%arg30 : memref<!tpu.dma_semaphore, #tpu.memory_space<semaphore_mem>>)
      %add3A_406 = arith.constant 3 : i32
      %add3A_407 = arith.addi %cond3A_235, %add3A_406 : i32
      %mul3A_408 = arith.constant 4 : i32
      %mul3A_409 = arith.muli %add3A_407, %mul3A_408 : i32
      %add3A_410 = arith.constant 3 : i32
      %add3A_411 = arith.addi %mul3A_409, %add3A_410 : i32
      %dma_start3A_412 = arith.constant 0 : i32
      %dma_start3A_413 = tpu.memref_slice %arg2[%add3A, %add3A_411, %dma_start3A_412] : memref<32x256x4096xf32, #tpu.memory_space<hbm>> -> memref<1x1x4096xf32, #tpu.memory_space<hbm>>
      %dma_start3A_414 = tpu.memref_squeeze %dma_start3A_413 : memref<1x1x4096xf32, #tpu.memory_space<hbm>> -> memref<4096xf32, #tpu.memory_space<hbm>>
      %dma_start3A_415 = arith.constant 0 : i32
      %dma_start3A_416 = tpu.memref_slice %arg2[%add3A, %add3A_411, %dma_start3A_415] : memref<32x256x4096xf32, #tpu.memory_space<hbm>> -> memref<1x1x4096xf32, #tpu.memory_space<hbm>>
      %dma_start3A_417 = tpu.memref_squeeze %dma_start3A_416 : memref<1x1x4096xf32, #tpu.memory_space<hbm>> -> memref<4096xf32, #tpu.memory_space<hbm>>
      tpu.enqueue_dma source(%dma_start3A_417 : memref<4096xf32, #tpu.memory_space<hbm>>) target(%arg9 : memref<4096xf32, #tpu.memory_space<vmem>>) target_semaphore(%arg30 : memref<!tpu.dma_semaphore, #tpu.memory_space<semaphore_mem>>)
    } else {
    }
    %mul3A_238 = arith.constant 61 : i32
    %mul3A_239 = arith.constant 4 : i32
    %mul3A_240 = arith.muli %mul3A_238, %mul3A_239 : i32
    %add3A_241 = arith.constant 0 : i32
    %add3A_242 = arith.addi %mul3A_240, %add3A_241 : i32
    %dma_wait3A_243 = arith.constant 0 : i32
    %dma_wait3A_244 = tpu.memref_slice %arg4[%add3A, %add3A_242, %dma_wait3A_243] : memref<32x256x4096xf32, #tpu.memory_space<hbm>> -> memref<1x1x4096xf32, #tpu.memory_space<hbm>>
    %dma_wait3A_245 = tpu.memref_squeeze %dma_wait3A_244 : memref<1x1x4096xf32, #tpu.memory_space<hbm>> -> memref<4096xf32, #tpu.memory_space<hbm>>
    %dma_wait3A_246 = arith.constant 0 : i32
    %dma_wait3A_247 = tpu.memref_slice %arg4[%add3A, %add3A_242, %dma_wait3A_246] : memref<32x256x4096xf32, #tpu.memory_space<hbm>> -> memref<1x1x4096xf32, #tpu.memory_space<hbm>>
    %dma_wait3A_248 = tpu.memref_squeeze %dma_wait3A_247 : memref<1x1x4096xf32, #tpu.memory_space<hbm>> -> memref<4096xf32, #tpu.memory_space<hbm>>
    tpu.wait_dma2 semaphore(%arg34 : memref<!tpu.dma_semaphore, #tpu.memory_space<semaphore_mem>>) src(%arg22 : memref<4096xf32, #tpu.memory_space<vmem>>) dst(%dma_wait3A_248 : memref<4096xf32, #tpu.memory_space<hbm>>)
    %mul3A_249 = arith.constant 61 : i32
    %mul3A_250 = arith.constant 4 : i32
    %mul3A_251 = arith.muli %mul3A_249, %mul3A_250 : i32
    %add3A_252 = arith.constant 1 : i32
    %add3A_253 = arith.addi %mul3A_251, %add3A_252 : i32
    %dma_wait3A_254 = arith.constant 0 : i32
    %dma_wait3A_255 = tpu.memref_slice %arg4[%add3A, %add3A_253, %dma_wait3A_254] : memref<32x256x4096xf32, #tpu.memory_space<hbm>> -> memref<1x1x4096xf32, #tpu.memory_space<hbm>>
    %dma_wait3A_256 = tpu.memref_squeeze %dma_wait3A_255 : memref<1x1x4096xf32, #tpu.memory_space<hbm>> -> memref<4096xf32, #tpu.memory_space<hbm>>
    %dma_wait3A_257 = arith.constant 0 : i32
    %dma_wait3A_258 = tpu.memref_slice %arg4[%add3A, %add3A_253, %dma_wait3A_257] : memref<32x256x4096xf32, #tpu.memory_space<hbm>> -> memref<1x1x4096xf32, #tpu.memory_space<hbm>>
    %dma_wait3A_259 = tpu.memref_squeeze %dma_wait3A_258 : memref<1x1x4096xf32, #tpu.memory_space<hbm>> -> memref<4096xf32, #tpu.memory_space<hbm>>
    tpu.wait_dma2 semaphore(%arg34 : memref<!tpu.dma_semaphore, #tpu.memory_space<semaphore_mem>>) src(%arg23 : memref<4096xf32, #tpu.memory_space<vmem>>) dst(%dma_wait3A_259 : memref<4096xf32, #tpu.memory_space<hbm>>)
    %mul3A_260 = arith.constant 61 : i32
    %mul3A_261 = arith.constant 4 : i32
    %mul3A_262 = arith.muli %mul3A_260, %mul3A_261 : i32
    %add3A_263 = arith.constant 2 : i32
    %add3A_264 = arith.addi %mul3A_262, %add3A_263 : i32
    %dma_wait3A_265 = arith.constant 0 : i32
    %dma_wait3A_266 = tpu.memref_slice %arg4[%add3A, %add3A_264, %dma_wait3A_265] : memref<32x256x4096xf32, #tpu.memory_space<hbm>> -> memref<1x1x4096xf32, #tpu.memory_space<hbm>>
    %dma_wait3A_267 = tpu.memref_squeeze %dma_wait3A_266 : memref<1x1x4096xf32, #tpu.memory_space<hbm>> -> memref<4096xf32, #tpu.memory_space<hbm>>
    %dma_wait3A_268 = arith.constant 0 : i32
    %dma_wait3A_269 = tpu.memref_slice %arg4[%add3A, %add3A_264, %dma_wait3A_268] : memref<32x256x4096xf32, #tpu.memory_space<hbm>> -> memref<1x1x4096xf32, #tpu.memory_space<hbm>>
    %dma_wait3A_270 = tpu.memref_squeeze %dma_wait3A_269 : memref<1x1x4096xf32, #tpu.memory_space<hbm>> -> memref<4096xf32, #tpu.memory_space<hbm>>
    tpu.wait_dma2 semaphore(%arg34 : memref<!tpu.dma_semaphore, #tpu.memory_space<semaphore_mem>>) src(%arg24 : memref<4096xf32, #tpu.memory_space<vmem>>) dst(%dma_wait3A_270 : memref<4096xf32, #tpu.memory_space<hbm>>)
    %mul3A_271 = arith.constant 61 : i32
    %mul3A_272 = arith.constant 4 : i32
    %mul3A_273 = arith.muli %mul3A_271, %mul3A_272 : i32
    %add3A_274 = arith.constant 3 : i32
    %add3A_275 = arith.addi %mul3A_273, %add3A_274 : i32
    %dma_wait3A_276 = arith.constant 0 : i32
    %dma_wait3A_277 = tpu.memref_slice %arg4[%add3A, %add3A_275, %dma_wait3A_276] : memref<32x256x4096xf32, #tpu.memory_space<hbm>> -> memref<1x1x4096xf32, #tpu.memory_space<hbm>>
    %dma_wait3A_278 = tpu.memref_squeeze %dma_wait3A_277 : memref<1x1x4096xf32, #tpu.memory_space<hbm>> -> memref<4096xf32, #tpu.memory_space<hbm>>
    %dma_wait3A_279 = arith.constant 0 : i32
    %dma_wait3A_280 = tpu.memref_slice %arg4[%add3A, %add3A_275, %dma_wait3A_279] : memref<32x256x4096xf32, #tpu.memory_space<hbm>> -> memref<1x1x4096xf32, #tpu.memory_space<hbm>>
    %dma_wait3A_281 = tpu.memref_squeeze %dma_wait3A_280 : memref<1x1x4096xf32, #tpu.memory_space<hbm>> -> memref<4096xf32, #tpu.memory_space<hbm>>
    tpu.wait_dma2 semaphore(%arg34 : memref<!tpu.dma_semaphore, #tpu.memory_space<semaphore_mem>>) src(%arg25 : memref<4096xf32, #tpu.memory_space<vmem>>) dst(%dma_wait3A_281 : memref<4096xf32, #tpu.memory_space<hbm>>)
    %mul3A_282 = arith.constant 62 : i32
    %mul3A_283 = arith.constant 4 : i32
    %mul3A_284 = arith.muli %mul3A_282, %mul3A_283 : i32
    %add3A_285 = arith.constant 0 : i32
    %add3A_286 = arith.addi %mul3A_284, %add3A_285 : i32
    %dma_wait3A_287 = arith.constant 0 : i32
    %dma_wait3A_288 = tpu.memref_slice %arg4[%add3A, %add3A_286, %dma_wait3A_287] : memref<32x256x4096xf32, #tpu.memory_space<hbm>> -> memref<1x1x4096xf32, #tpu.memory_space<hbm>>
    %dma_wait3A_289 = tpu.memref_squeeze %dma_wait3A_288 : memref<1x1x4096xf32, #tpu.memory_space<hbm>> -> memref<4096xf32, #tpu.memory_space<hbm>>
    %dma_wait3A_290 = arith.constant 0 : i32
    %dma_wait3A_291 = tpu.memref_slice %arg4[%add3A, %add3A_286, %dma_wait3A_290] : memref<32x256x4096xf32, #tpu.memory_space<hbm>> -> memref<1x1x4096xf32, #tpu.memory_space<hbm>>
    %dma_wait3A_292 = tpu.memref_squeeze %dma_wait3A_291 : memref<1x1x4096xf32, #tpu.memory_space<hbm>> -> memref<4096xf32, #tpu.memory_space<hbm>>
    tpu.wait_dma2 semaphore(%arg35 : memref<!tpu.dma_semaphore, #tpu.memory_space<semaphore_mem>>) src(%arg26 : memref<4096xf32, #tpu.memory_space<vmem>>) dst(%dma_wait3A_292 : memref<4096xf32, #tpu.memory_space<hbm>>)
    %mul3A_293 = arith.constant 62 : i32
    %mul3A_294 = arith.constant 4 : i32
    %mul3A_295 = arith.muli %mul3A_293, %mul3A_294 : i32
    %add3A_296 = arith.constant 1 : i32
    %add3A_297 = arith.addi %mul3A_295, %add3A_296 : i32
    %dma_wait3A_298 = arith.constant 0 : i32
    %dma_wait3A_299 = tpu.memref_slice %arg4[%add3A, %add3A_297, %dma_wait3A_298] : memref<32x256x4096xf32, #tpu.memory_space<hbm>> -> memref<1x1x4096xf32, #tpu.memory_space<hbm>>
    %dma_wait3A_300 = tpu.memref_squeeze %dma_wait3A_299 : memref<1x1x4096xf32, #tpu.memory_space<hbm>> -> memref<4096xf32, #tpu.memory_space<hbm>>
    %dma_wait3A_301 = arith.constant 0 : i32
    %dma_wait3A_302 = tpu.memref_slice %arg4[%add3A, %add3A_297, %dma_wait3A_301] : memref<32x256x4096xf32, #tpu.memory_space<hbm>> -> memref<1x1x4096xf32, #tpu.memory_space<hbm>>
    %dma_wait3A_303 = tpu.memref_squeeze %dma_wait3A_302 : memref<1x1x4096xf32, #tpu.memory_space<hbm>> -> memref<4096xf32, #tpu.memory_space<hbm>>
    tpu.wait_dma2 semaphore(%arg35 : memref<!tpu.dma_semaphore, #tpu.memory_space<semaphore_mem>>) src(%arg27 : memref<4096xf32, #tpu.memory_space<vmem>>) dst(%dma_wait3A_303 : memref<4096xf32, #tpu.memory_space<hbm>>)
    %mul3A_304 = arith.constant 62 : i32
    %mul3A_305 = arith.constant 4 : i32
    %mul3A_306 = arith.muli %mul3A_304, %mul3A_305 : i32
    %add3A_307 = arith.constant 2 : i32
    %add3A_308 = arith.addi %mul3A_306, %add3A_307 : i32
    %dma_wait3A_309 = arith.constant 0 : i32
    %dma_wait3A_310 = tpu.memref_slice %arg4[%add3A, %add3A_308, %dma_wait3A_309] : memref<32x256x4096xf32, #tpu.memory_space<hbm>> -> memref<1x1x4096xf32, #tpu.memory_space<hbm>>
    %dma_wait3A_311 = tpu.memref_squeeze %dma_wait3A_310 : memref<1x1x4096xf32, #tpu.memory_space<hbm>> -> memref<4096xf32, #tpu.memory_space<hbm>>
    %dma_wait3A_312 = arith.constant 0 : i32
    %dma_wait3A_313 = tpu.memref_slice %arg4[%add3A, %add3A_308, %dma_wait3A_312] : memref<32x256x4096xf32, #tpu.memory_space<hbm>> -> memref<1x1x4096xf32, #tpu.memory_space<hbm>>
    %dma_wait3A_314 = tpu.memref_squeeze %dma_wait3A_313 : memref<1x1x4096xf32, #tpu.memory_space<hbm>> -> memref<4096xf32, #tpu.memory_space<hbm>>
    tpu.wait_dma2 semaphore(%arg35 : memref<!tpu.dma_semaphore, #tpu.memory_space<semaphore_mem>>) src(%arg28 : memref<4096xf32, #tpu.memory_space<vmem>>) dst(%dma_wait3A_314 : memref<4096xf32, #tpu.memory_space<hbm>>)
    %mul3A_315 = arith.constant 62 : i32
    %mul3A_316 = arith.constant 4 : i32
    %mul3A_317 = arith.muli %mul3A_315, %mul3A_316 : i32
    %add3A_318 = arith.constant 3 : i32
    %add3A_319 = arith.addi %mul3A_317, %add3A_318 : i32
    %dma_wait3A_320 = arith.constant 0 : i32
    %dma_wait3A_321 = tpu.memref_slice %arg4[%add3A, %add3A_319, %dma_wait3A_320] : memref<32x256x4096xf32, #tpu.memory_space<hbm>> -> memref<1x1x4096xf32, #tpu.memory_space<hbm>>
    %dma_wait3A_322 = tpu.memref_squeeze %dma_wait3A_321 : memref<1x1x4096xf32, #tpu.memory_space<hbm>> -> memref<4096xf32, #tpu.memory_space<hbm>>
    %dma_wait3A_323 = arith.constant 0 : i32
    %dma_wait3A_324 = tpu.memref_slice %arg4[%add3A, %add3A_319, %dma_wait3A_323] : memref<32x256x4096xf32, #tpu.memory_space<hbm>> -> memref<1x1x4096xf32, #tpu.memory_space<hbm>>
    %dma_wait3A_325 = tpu.memref_squeeze %dma_wait3A_324 : memref<1x1x4096xf32, #tpu.memory_space<hbm>> -> memref<4096xf32, #tpu.memory_space<hbm>>
    tpu.wait_dma2 semaphore(%arg35 : memref<!tpu.dma_semaphore, #tpu.memory_space<semaphore_mem>>) src(%arg29 : memref<4096xf32, #tpu.memory_space<vmem>>) dst(%dma_wait3A_325 : memref<4096xf32, #tpu.memory_space<hbm>>)
    %mul3A_326 = arith.constant 63 : i32
    %mul3A_327 = arith.constant 4 : i32
    %mul3A_328 = arith.muli %mul3A_326, %mul3A_327 : i32
    %add3A_329 = arith.constant 0 : i32
    %add3A_330 = arith.addi %mul3A_328, %add3A_329 : i32
    %dma_wait3A_331 = arith.constant 0 : i32
    %dma_wait3A_332 = tpu.memref_slice %arg4[%add3A, %add3A_330, %dma_wait3A_331] : memref<32x256x4096xf32, #tpu.memory_space<hbm>> -> memref<1x1x4096xf32, #tpu.memory_space<hbm>>
    %dma_wait3A_333 = tpu.memref_squeeze %dma_wait3A_332 : memref<1x1x4096xf32, #tpu.memory_space<hbm>> -> memref<4096xf32, #tpu.memory_space<hbm>>
    %dma_wait3A_334 = arith.constant 0 : i32
    %dma_wait3A_335 = tpu.memref_slice %arg4[%add3A, %add3A_330, %dma_wait3A_334] : memref<32x256x4096xf32, #tpu.memory_space<hbm>> -> memref<1x1x4096xf32, #tpu.memory_space<hbm>>
    %dma_wait3A_336 = tpu.memref_squeeze %dma_wait3A_335 : memref<1x1x4096xf32, #tpu.memory_space<hbm>> -> memref<4096xf32, #tpu.memory_space<hbm>>
    tpu.wait_dma2 semaphore(%arg33 : memref<!tpu.dma_semaphore, #tpu.memory_space<semaphore_mem>>) src(%arg18 : memref<4096xf32, #tpu.memory_space<vmem>>) dst(%dma_wait3A_336 : memref<4096xf32, #tpu.memory_space<hbm>>)
    %mul3A_337 = arith.constant 63 : i32
    %mul3A_338 = arith.constant 4 : i32
    %mul3A_339 = arith.muli %mul3A_337, %mul3A_338 : i32
    %add3A_340 = arith.constant 1 : i32
    %add3A_341 = arith.addi %mul3A_339, %add3A_340 : i32
    %dma_wait3A_342 = arith.constant 0 : i32
    %dma_wait3A_343 = tpu.memref_slice %arg4[%add3A, %add3A_341, %dma_wait3A_342] : memref<32x256x4096xf32, #tpu.memory_space<hbm>> -> memref<1x1x4096xf32, #tpu.memory_space<hbm>>
    %dma_wait3A_344 = tpu.memref_squeeze %dma_wait3A_343 : memref<1x1x4096xf32, #tpu.memory_space<hbm>> -> memref<4096xf32, #tpu.memory_space<hbm>>
    %dma_wait3A_345 = arith.constant 0 : i32
    %dma_wait3A_346 = tpu.memref_slice %arg4[%add3A, %add3A_341, %dma_wait3A_345] : memref<32x256x4096xf32, #tpu.memory_space<hbm>> -> memref<1x1x4096xf32, #tpu.memory_space<hbm>>
    %dma_wait3A_347 = tpu.memref_squeeze %dma_wait3A_346 : memref<1x1x4096xf32, #tpu.memory_space<hbm>> -> memref<4096xf32, #tpu.memory_space<hbm>>
    tpu.wait_dma2 semaphore(%arg33 : memref<!tpu.dma_semaphore, #tpu.memory_space<semaphore_mem>>) src(%arg19 : memref<4096xf32, #tpu.memory_space<vmem>>) dst(%dma_wait3A_347 : memref<4096xf32, #tpu.memory_space<hbm>>)
    %mul3A_348 = arith.constant 63 : i32
    %mul3A_349 = arith.constant 4 : i32
    %mul3A_350 = arith.muli %mul3A_348, %mul3A_349 : i32
    %add3A_351 = arith.constant 2 : i32
    %add3A_352 = arith.addi %mul3A_350, %add3A_351 : i32
    %dma_wait3A_353 = arith.constant 0 : i32
    %dma_wait3A_354 = tpu.memref_slice %arg4[%add3A, %add3A_352, %dma_wait3A_353] : memref<32x256x4096xf32, #tpu.memory_space<hbm>> -> memref<1x1x4096xf32, #tpu.memory_space<hbm>>
    %dma_wait3A_355 = tpu.memref_squeeze %dma_wait3A_354 : memref<1x1x4096xf32, #tpu.memory_space<hbm>> -> memref<4096xf32, #tpu.memory_space<hbm>>
    %dma_wait3A_356 = arith.constant 0 : i32
    %dma_wait3A_357 = tpu.memref_slice %arg4[%add3A, %add3A_352, %dma_wait3A_356] : memref<32x256x4096xf32, #tpu.memory_space<hbm>> -> memref<1x1x4096xf32, #tpu.memory_space<hbm>>
    %dma_wait3A_358 = tpu.memref_squeeze %dma_wait3A_357 : memref<1x1x4096xf32, #tpu.memory_space<hbm>> -> memref<4096xf32, #tpu.memory_space<hbm>>
    tpu.wait_dma2 semaphore(%arg33 : memref<!tpu.dma_semaphore, #tpu.memory_space<semaphore_mem>>) src(%arg20 : memref<4096xf32, #tpu.memory_space<vmem>>) dst(%dma_wait3A_358 : memref<4096xf32, #tpu.memory_space<hbm>>)
    %mul3A_359 = arith.constant 63 : i32
    %mul3A_360 = arith.constant 4 : i32
    %mul3A_361 = arith.muli %mul3A_359, %mul3A_360 : i32
    %add3A_362 = arith.constant 3 : i32
    %add3A_363 = arith.addi %mul3A_361, %add3A_362 : i32
    %dma_wait3A_364 = arith.constant 0 : i32
    %dma_wait3A_365 = tpu.memref_slice %arg4[%add3A, %add3A_363, %dma_wait3A_364] : memref<32x256x4096xf32, #tpu.memory_space<hbm>> -> memref<1x1x4096xf32, #tpu.memory_space<hbm>>
    %dma_wait3A_366 = tpu.memref_squeeze %dma_wait3A_365 : memref<1x1x4096xf32, #tpu.memory_space<hbm>> -> memref<4096xf32, #tpu.memory_space<hbm>>
    %dma_wait3A_367 = arith.constant 0 : i32
    %dma_wait3A_368 = tpu.memref_slice %arg4[%add3A, %add3A_363, %dma_wait3A_367] : memref<32x256x4096xf32, #tpu.memory_space<hbm>> -> memref<1x1x4096xf32, #tpu.memory_space<hbm>>
    %dma_wait3A_369 = tpu.memref_squeeze %dma_wait3A_368 : memref<1x1x4096xf32, #tpu.memory_space<hbm>> -> memref<4096xf32, #tpu.memory_space<hbm>>
    tpu.wait_dma2 semaphore(%arg33 : memref<!tpu.dma_semaphore, #tpu.memory_space<semaphore_mem>>) src(%arg21 : memref<4096xf32, #tpu.memory_space<vmem>>) dst(%dma_wait3A_369 : memref<4096xf32, #tpu.memory_space<hbm>>)
    return
  }
}

</mosaic_0001>

<sc_bundles>
// kernel: kernel.3.cloned.1.call-start
scs
__scs_entry_jumppad:
0x0: {  	(pc) =	sbr.rel $0x88, $3  }
0x1: {  	(tag) =	ssettag $0x0;
	lr =	simm.s32 $0x1  }
0x2: {  	[smem:$0x3FA0] =	sst lr;
	_ =	strace $0xD0000000  }
0x3: {  	_ = 	snop  }
0x4: {  	_ = 	snop  }
0x5: {  	_ = 	snop  }
0x6: {  	_ = 	snop  }
0x7: {  	_ = 	snop  }
__scs_overlays_trampoline_lowered:
0x8: {  	[smem:$0x3FAF] =	sst s0  }
0x9: {  	[smem:$0x3FB0] =	sst s1  }
0xa: {  	[smem:$0x3FB1] =	sst s2  }
0xb: {  	[smem:$0x3FB2] =	sst s3  }
0xc: {  	[smem:$0x3FB3] =	sst s4  }
0xd: {  	[smem:$0x3FB4] =	sst s5  }
0xe: {  	[smem:$0x3FB5] =	sst s6  }
0xf: {  	[smem:$0x3FB6] =	sst s7  }
0x10: {  	[smem:$0x3FB7] =	sst s8  }
0x11: {  	[smem:$0x3FB8] =	sst s9;
	s0 =	simm.s32 @!p0 $0x0  }
0x12: {  	s1 =	sld [smem:$0x3F9E];
	s0 =	simm.s32 @p0 $0x1  }
0x13: {  	[smem:$0x3FB9] =	sst s0;
	s0 =	simm.s32 @!p1 $0x0  }
0x14: {  	s2 =	sld [smem:$0x3F9D];
	s0 =	simm.s32 @p1 $0x1  }
0x15: {  	[smem:$0x3FBA] =	sst s0;
	s0 =	simm.s32 @!p2 $0x0  }
0x16: {  	s3 =	sld [smem:$0x3FDB];
	s0 =	simm.s32 @p2 $0x1  }
0x17: {  	s4 =	simm.s32 $0x1BF5;
	[smem:$0x3FBC] =	sst s0  }
0x18: {  	s0 =	sld [smem:$0x3F9F];
	_ =	swait.ge [sflag:s4], $0x0  }
0x19: {  	s7 =	sld [smem:$0x3FA0]  }
0x1a: {  	s8 =	sadd.s32 $0xFFFFE003, lr  }
0x1b: {  	s9 =	sadd.s32 $0xFFFFFEF7, lr;
	s5 =	simm.s32 $0xFFFFFFFF;
	p2 =	slt.u32 s8, $0xFFFFF086  }
0x1c: {  	p1 =	slt.u32 s9, $0xF7A;
	s5 =	simm.s32 @!p2 $0x0  }
0x1d: {  	s5 =	simm.s32 @p1 $0x1;
	p0 =	seq.s32 s7, s2  }
0x1e: {  	s7 =	smul.u32 @!p0 $0xF7A, s2;
	p2 =	seq.s32 @!p0 s5, $0x0  }
0x1f: {  	s9 =	smul.u32 $0xF7A, s1;
	s8 =	simm.s32 @!p0 $0x1BF5;
	p2 =	por !p2, p0  }
0x20: {  	[sflag:s8] =	ssyncset.s32 @!p0 $0xFFFFF086;
	s6 =	sadd.s32 @!p0 s3, s7;
	s7 =	simm.s32 @!p0 $0x108  }
0x21: {  	s3 =	sadd.s32 s3, s9;
	s6 =	sadd.s32 @!p0 $0x88, s6;
	s7 =	simm.s32 @p2 $0x1082  }
0x22: {  	[simem:s7], [sflag:s8] =	dma.local @!p0 [hbm:s6], $0xF7A  }
0x23: {  	s9 =	sor.u32 $0xD0000000, s2;
	s6 =	simm.s32 $0x108;
	_ =	swait.ge @!p0 [sflag:s8], $0x0  }
0x24: {  	s3 =	sadd.s32 $0x88, s3;
	s6 =	simm.s32 @!p1 $0x1082;
	[sflag:s4] =	ssyncset.s32 $0xFFFFF086  }
0x25: {  	[simem:s6], [sflag:s4] =	dma.local [hbm:s3], $0xF7A  }
0x26: {  	[smem:$0x3FA0] =	sst s1;
	(tag) =	ssettag s2;
	_ =	strace s9  }
0x27: {  	s1 =	sld [smem:$0x3FB0]  }
0x28: {  	s2 =	sld [smem:$0x3FB1]  }
0x29: {  	s4 =	sld [smem:$0x3FB3]  }
0x2a: {  	p0 =	seq.s32 s5, $0x0;
	s5 =	sld [smem:$0x3FB4]  }
0x2b: {  	s6 =	sld [smem:$0x3FB5]  }
0x2c: {  	s7 =	sld [smem:$0x3FB6]  }
0x2d: {  	s3 =	simm.s32 $0x108;
	s8 =	sld [smem:$0x3FB7]  }
0x2e: {  	s3 =	simm.s32 @!p0 $0x1082;
	s9 =	sld [smem:$0x3FB8]  }
0x2f: {  	lr =	sadd.s32 s0, s3;
	s0 =	sld [smem:$0x3FAF]  }
0x30: {  	s3 =	sld [smem:$0x3FB2]  }
0x31: {  	[smem:$0x3FBB] =	sst s10  }
0x32: {  	s10 =	sld [smem:$0x3FB9];
	_ =	sdelay $0x3  }
0x33: {  	p0 =	seq.s32 s10, $0x1;
	s10 =	sld [smem:$0x3FBB];
	_ =	sdelay $0x3  }
0x34: {  	[smem:$0x3FBB] =	sst s10  }
0x35: {  	s10 =	sld [smem:$0x3FBA];
	_ =	sdelay $0x3  }
0x36: {  	p1 =	seq.s32 s10, $0x1;
	s10 =	sld [smem:$0x3FBB];
	_ =	sdelay $0x3  }
0x37: {  	[smem:$0x3FBB] =	sst s10  }
0x38: {  	s10 =	sld [smem:$0x3FBC]  }
0x39: {  	_ = 	snop;
	(pc) =	sbr.ind lr, $3  }
0x3a: {  	_ = 	snop  }
0x3b: {  	_ = 	snop  }
0x3c: {  	p2 =	seq.s32 s10, $0x1;
	s10 =	sld [smem:$0x3FBB]  }
0x3d: {  	_ =	shalt  }
0x3e: {  	_ =	shalt  }
0x3f: {  	_ =	shalt  }
0x40: {  	_ =	shalt  }
0x41: {  	_ =	shalt  }
0x42: {  	_ =	shalt  }
0x43: {  	_ =	shalt  }
0x44: {  	_ =	shalt  }
0x45: {  	_ =	shalt  }
0x46: {  	_ =	shalt  }
0x47: {  	_ =	shalt  }
0x48: {  	_ =	shalt  }
0x49: {  	_ =	shalt  }
0x4a: {  	_ =	shalt  }
0x4b: {  	_ =	shalt  }
0x4c: {  	_ =	shalt  }
0x4d: {  	_ =	shalt  }
0x4e: {  	_ =	shalt  }
0x4f: {  	_ =	shalt  }
0x50: {  	_ =	shalt  }
0x51: {  	_ =	shalt  }
0x52: {  	_ =	shalt  }
0x53: {  	_ =	shalt  }
0x54: {  	_ =	shalt  }
0x55: {  	_ =	shalt  }
0x56: {  	_ =	shalt  }
0x57: {  	_ =	shalt  }
0x58: {  	_ =	shalt  }
0x59: {  	_ =	shalt  }
0x5a: {  	_ =	shalt  }
0x5b: {  	_ =	shalt  }
0x5c: {  	_ =	shalt  }
0x5d: {  	_ =	shalt  }
0x5e: {  	_ =	shalt  }
0x5f: {  	_ =	shalt  }
0x60: {  	_ =	shalt  }
0x61: {  	_ =	shalt  }
0x62: {  	_ =	shalt  }
0x63: {  	_ =	shalt  }
0x64: {  	_ =	shalt  }
0x65: {  	_ =	shalt  }
0x66: {  	_ =	shalt  }
0x67: {  	_ =	shalt  }
0x68: {  	_ =	shalt  }
0x69: {  	_ =	shalt  }
0x6a: {  	_ =	shalt  }
0x6b: {  	_ =	shalt  }
0x6c: {  	_ =	shalt  }
0x6d: {  	_ =	shalt  }
0x6e: {  	_ =	shalt  }
0x6f: {  	_ =	shalt  }
0x70: {  	_ =	shalt  }
0x71: {  	_ =	shalt  }
0x72: {  	_ =	shalt  }
0x73: {  	_ =	shalt  }
0x74: {  	_ =	shalt  }
0x75: {  	_ =	shalt  }
0x76: {  	_ =	shalt  }
0x77: {  	_ =	shalt  }
0x78: {  	_ =	shalt  }
0x79: {  	_ =	shalt  }
0x7a: {  	_ =	shalt  }
0x7b: {  	_ =	shalt  }
0x7c: {  	_ =	shalt  }
0x7d: {  	_ =	shalt  }
0x7e: {  	_ =	shalt  }
0x7f: {  	_ =	shalt  }
0x80: {  	_ =	shalt  }
0x81: {  	_ =	shalt  }
0x82: {  	_ =	shalt  }
0x83: {  	_ =	shalt  }
0x84: {  	_ =	shalt  }
0x85: {  	_ =	shalt  }
0x86: {  	_ =	shalt  }
0x87: {  	_ =	shalt  }
.Lfunc_end0:
.L_simem_size_0:
called_computation_lowered:
.L_overlay_start_0:
0x88: {  	s2 =	sld [smem:$0x3FD9]  }
0x89: {  	s3 =	sld [smem:$0x3FFE];
	_ =	sdelay $0x1  }
0x8a: {  	s1 =	srdreg.scid  }
0x8b: {  	s0 =	sand.u32 $0x1, s1  }
0x8c: {  	s17 =	sshll.u32 s0, $0xA;
	s2 =	sadd.s32 s3, s2  }
0x8d: {  	s2 =	sadd.s32 s2, s17  }
0x8e: {  	[smem:$0x3FC7] =	sst s2  }
0x8f: {  	_ = 	snop  }
0x90: {  	s2 =	sld [smem:$0x3FC9]  }
0x91: {  	s18 =	sld [smem:$0x3FD0];
	(tm) =	ssettm $0x1  }
0x92: {  	s4 =	sld [smem:$0x3FFB];
	_ =	sdelay $0x3  }
0x93: {  	_ =	strace s4  }
0x94: {  	s4 =	sld [smem:$0x3FFC];
	_ =	sdelay $0x3  }
0x95: {  	_ =	strace s4  }
0x96: {  	s4 =	sld [smem:$0x3FFD];
	_ =	sdelay $0x3  }
0x97: {  	_ =	strace s4  }
0x98: {  	_ =	strace $0x8FFFFFFF  }
0x99: {  	s19 =	sld [smem:$0x3FDB];
	_ =	sdelay $0x1  }
0x9a: {  	s5 =	simm.s32 $_scs_section_size  }
0x9b: {  	s6 =	simm.s32 $_size__tile_overlayer_lowered;
	s7 =	simm.s32 $_tile_overlayer_lowered  }
0x9c: {  	s22 =	simm.s32 $0x1BFF;
	s21 =	sshll.u32 s7, $0x1;
	s4 =	sadd.s32 s5, s19  }
0x9d: {  	s8 =	simm.s32 $0x0;
	s20 =	sshll.u32 s6, $0x1;
	s6 =	sadd.s32 s21, s4  }
0x9e: {  	[timem:s8], [sflag:s22] =	dma.local [hbm:s6], s20  }
0x9f: {  	_ =	swait.ge [sflag:s22], s20  }
0xa0: {  	s5 =	ssub.s32 $0x0, s20;
	[sflag:s22] =	ssyncset.done $0x0  }
0xa1: {  	[sflag:s22] =	ssyncadd.s32 s5;
	_ =	sdelay $0x1  }
0xa2: {  	s23 =	simm.s32 $0x1B8B  }
0xa3: {  	_ =	swait.ge [sflag:s23], $0x1  }
0xa4: {  	[sflag:s23] =	ssyncset.done $0x0  }
0xa5: {  	s25 =	simm.s32 $0x1B8E;
	s24 =	sld [smem:$0x3FFE];
	[sflag:s23] =	ssyncadd.s32 $0xFFFFFFFF  }
0xa6: {  	s26 =	simm.s32 $execute0_lowered;
	[smem:$0x3FD2] =	sst s25  }
0xa7: {  	s6 =	sshll.u32 s26, $0x1;
	_ =	strace $0x80000046;
	[dreg:$0x1] =	wrdreg $0xFFFFFFFF  }
0xa8: {  	s28 =	simm.s32 $_size_execute0_lowered;
	s4 =	sadd.s32 s4, s6;
	[dreg:$0x0] =	wrdreg $0x0  }
0xa9: {  	s6 =	sshll.u32 s28, $0x1;
	[dreg:$0x2] =	wrdreg s4  }
0xaa: {  	[dreg:$0x3] =	wrdreg s6  }
0xab: {  	[dreg:$0x4] =	wrdreg $0xC0  }
0xac: {  	_ =	task [dreg:s8], $0x5FFFF  }
0xad: {  	[dreg:$0x1] =	wrdreg $0xFFFFFFFF  }
0xae: {  	[dreg:$0x0] =	wrdreg $0x60  }
0xaf: {  	[dreg:$0x2] =	wrdreg s2  }
0xb0: {  	[dreg:$0x3] =	wrdreg s24  }
0xb1: {  	[dreg:$0x4] =	wrdreg s18  }
0xb2: {  	[dreg:$0x5] =	wrdreg $0x9  }
0xb3: {  	_ =	task.clear_ibuf [dreg:s8], $0x6FFFF;
	_ =	strace $0x90000046  }
0xb4: {  	s29 =	simm.s32 $0x9;
	_ =	strace $0x80000048  }
0xb5: {  	_ =	swait.ge [sflag:s29], $0x1  }
0xb6: {  	[sflag:s29] =	ssyncadd.s32 $0xFFFFFFFF  }
0xb7: {  	_ =	strace $0x90000048  }
0xb8: {  	_ =	sfence  }
0xb9: {  	s30 =	sld [smem:$0x0];
	_ =	sdelay $0x2  }
0xba: {  	s31 =	sshll.u32 s1, $0xD;
	s1 =	sshrl.u32 s1, $0x2  }
0xbb: {  	s3 =	sand.u32 $0x4000, s31;
	s1 =	sadd.s32 s1, s30  }
0xbc: {  	s0 =	sor.u32 s3, s0;
	s1 =	sshll.u32 s1, $0x11  }
0xbd: {  	s0 =	sor.u32 s1, s0  }
0xbe: {  	s0 =	sadd.s32 $0x8F2B, s0  }
0xbf: {  	[sflag:s0] =	ssyncadd.remote.s32 $0x1  }
0xc0: {  	_ =	sfence.sel $0xFFFF  }
0xc1: {  	[dreg:$0x0] =	wrdreg $0xFFFFFFFF;
	(pc) =	sbr.abs _section_cstart, $3  }
0xc2: {  	[dreg:$0x1] =	wrdreg $0xFFFFFFFF  }
0xc3: {  	_ =	task.clear_ibuf [dreg:s8], $0x2FFFF;
	_ =	strace $0x9FFFFFFF  }
0xc4: {  	(tm) =	ssettm $0x7FFFFFFF  }
0xc5: {  	_ =	shalt  }
tec
execute0_lowered:
.L_overlay_start_1:
0x0: {  	(tag) =	ssettag $0x1  }
0x1: {  	s5 =	rddreg [dreg:$0x0]  }
0x2: {  	s0 =	rddreg [dreg:$0x1]  }
0x3: {  	s6 =	rddreg [dreg:$0x2];
	s2 =	simm.s32 $0x0;
	s1 =	srdreg.scid  }
0x4: {  	s7 =	stileid.u32;
	[smem:$0x7FF] =	sst s2;
	s1 =	sand.u32 $0x1, s1  }
0x5: {  	s3 =	sshll.u32 s7, $0x1;
	s7 =	sshll.u32 s7, $0xA;
	_ =	strace $0x80000047  }
0x6: {  	s26 =	ssub.s32 $0x2, s1;
	s1 =	sor.u32 s1, s3;
	s3 =	sand.u32 $0x3000, s7  }
0x7: {  	s4 =	sshrl.u32 s26, $0x1;
	s8 =	sshll.u32 s1, $0x4;
	s0 =	sadd.s32 s0, s3  }
0x8: {  	s9 =	sshll.u32 s1, $0x11;
	s16 =	sshll.u32 s1, $0x14;
	s2 =	ssub.s32 s26, s4  }
0x9: {  	s4 =	sand.u32 $0x70, s8;
	s10 =	sadd.s32 s5, s9;
	[dreg:$0x5] =	wrdreg s16  }
0xa: {  	s0 =	sadd.s32 s4, s0;
	[dreg:$0x6] =	wrdreg s10  }
0xb: {  	s11 =	sadd.s32 $0x10, s10;
	[dreg:$0x4] =	wrdreg s0  }
0xc: {  	s12 =	sadd.s32 $0x20, s10;
	[dreg:$0x7] =	wrdreg s11  }
0xd: {  	s28 =	simm.s32 $0x1000;
	s13 =	sadd.s32 $0x30, s10;
	[dreg:$0x8] =	wrdreg s12  }
0xe: {  	s29 =	simm.s32 $0x2000;
	s14 =	sadd.s32 $0x40, s10;
	[dreg:$0x9] =	wrdreg s13  }
0xf: {  	s30 =	simm.s32 $0x3000;
	s15 =	sadd.s32 $0x50, s10;
	[dreg:$0xa] =	wrdreg s14  }
0x10: {  	s31 =	simm.s32 $0x4000;
	s17 =	sadd.s32 $0x60, s10;
	[dreg:$0xb] =	wrdreg s15  }
0x11: {  	s3 =	simm.s32 $0x6000;
	s18 =	sadd.s32 $0x70, s10;
	[dreg:$0xc] =	wrdreg s17  }
0x12: {  	s22 =	sadd.s32 s9, s6;
	s19 =	sadd.s32 $0x1000, s10;
	[dreg:$0xd] =	wrdreg s18  }
0x13: {  	s5 =	simm.s32 $0x8000;
	s20 =	sadd.s32 $0x1010, s10;
	[dreg:$0xe] =	wrdreg s19  }
0x14: {  	s8 =	simm.s32 $0x9000;
	s21 =	sadd.s32 $0x1020, s10;
	[dreg:$0xf] =	wrdreg s20  }
0x15: {  	s9 =	simm.s32 $0xA000;
	s23 =	sadd.s32 $0x1F040, s22;
	[dreg:$0x10] =	wrdreg s21  }
0x16: {  	s24 =	sadd.s32 $0x1F050, s22;
	s25 =	sadd.s32 $0x1F060, s22;
	[dreg:$0x12] =	wrdreg s23  }
0x17: {  	s26 =	smax.u32 s2, $0x1;
	s4 =	simm.s32 $0x7000;
	[dreg:$0x13] =	wrdreg s24  }
0x18: {  	s2 =	simm.s32 $0x0;
	s0 =	sadd.s32 $0x1030, s10;
	[dreg:$0x14] =	wrdreg s25  }
0x19: {  	[dreg:$0x16] =	wrdreg s26;
	s24 =	simm.s32 $0x80;
	s25 =	simm.s32 $0x400  }
0x1a: {  	s10 =	simm.s32 $0xB000;
	[dreg:$0x11] =	wrdreg s0;
	s0 =	sadd.s32 $0x1F070, s22  }
0x1b: {  	s11 =	simm.s32 $0xC000;
	[dreg:$0x15] =	wrdreg s0;
	s0 =	simm.s32 $0x5000  }
.LBB2_1:
0x1c: {  	[dreg:$0x17] =	wrdreg s2  }
0x1d: {  	s1 =	simm.s32 $0x0;
	s6 =	rddreg [dreg:$0x4];
	s7 =	simm.s32 $0x7  }
0x1e: {  	[tilespmem:s1], [sflag:$0x7] =	stream.strided.gather [hbm4b:s6+s24], $0x1000, s25, s24, $0x38;
	[tilespmem:$0x19000] =	vst v63  }
0x1f: {  	_ =	swait.ge [sflag:s7], $0x1000  }
0x20: {  	[sflag:s7] =	ssyncset.done $0x0  }
0x21: {  	s12 =	rddreg [dreg:$0x6];
	[sflag:s7] =	ssyncadd.s32 $0xFFFFF000  }
0x22: {  	[tilespmem:s28], [sflag:$0x1] =	stream.strided.gather [hbm4b:s12+s24], $0x1000, s25, s24, $0x38;
	[tilespmem:$0x19000] =	vst v63  }
0x23: {  	s13 =	rddreg [dreg:$0x7]  }
0x24: {  	[tilespmem:s29], [sflag:$0x1] =	stream.strided.gather [hbm4b:s13+s24], $0x1000, s25, s24, $0x38;
	[tilespmem:$0x19000] =	vst v63  }
0x25: {  	s14 =	rddreg [dreg:$0x8]  }
0x26: {  	[tilespmem:s30], [sflag:$0x1] =	stream.strided.gather [hbm4b:s14+s24], $0x1000, s25, s24, $0x38;
	[tilespmem:$0x19000] =	vst v63  }
0x27: {  	s15 =	rddreg [dreg:$0x9]  }
0x28: {  	[tilespmem:s31], [sflag:$0x1] =	stream.strided.gather [hbm4b:s15+s24], $0x1000, s25, s24, $0x38;
	[tilespmem:$0x19000] =	vst v63  }
0x29: {  	s17 =	rddreg [dreg:$0xa]  }
0x2a: {  	[tilespmem:s0], [sflag:$0x2] =	stream.strided.gather [hbm4b:s17+s24], $0x1000, s25, s24, $0x38;
	[tilespmem:$0x19000] =	vst v63  }
0x2b: {  	s18 =	rddreg [dreg:$0xb]  }
0x2c: {  	[tilespmem:s3], [sflag:$0x2] =	stream.strided.gather [hbm4b:s18+s24], $0x1000, s25, s24, $0x38;
	[tilespmem:$0x19000] =	vst v63  }
0x2d: {  	s19 =	rddreg [dreg:$0xc]  }
0x2e: {  	[tilespmem:s4], [sflag:$0x2] =	stream.strided.gather [hbm4b:s19+s24], $0x1000, s25, s24, $0x38;
	[tilespmem:$0x19000] =	vst v63  }
0x2f: {  	s20 =	rddreg [dreg:$0xd]  }
0x30: {  	[tilespmem:s5], [sflag:$0x2] =	stream.strided.gather [hbm4b:s20+s24], $0x1000, s25, s24, $0x38;
	[tilespmem:$0x19000] =	vst v63  }
0x31: {  	s21 =	rddreg [dreg:$0xe]  }
0x32: {  	[tilespmem:s8], [sflag:$0x3] =	stream.strided.gather [hbm4b:s21+s24], $0x1000, s25, s24, $0x38;
	[tilespmem:$0x19000] =	vst v63  }
0x33: {  	s22 =	rddreg [dreg:$0xf]  }
0x34: {  	[tilespmem:s9], [sflag:$0x3] =	stream.strided.gather [hbm4b:s22+s24], $0x1000, s25, s24, $0x38;
	[tilespmem:$0x19000] =	vst v63  }
0x35: {  	s23 =	rddreg [dreg:$0x10]  }
0x36: {  	[tilespmem:s10], [sflag:$0x3] =	stream.strided.gather [hbm4b:s23+s24], $0x1000, s25, s24, $0x38;
	[tilespmem:$0x19000] =	vst v63  }
0x37: {  	s26 =	rddreg [dreg:$0x11];
	s19 =	simm.s32 $0x0  }
0x38: {  	[tilespmem:s11], [sflag:$0x3] =	stream.strided.gather [hbm4b:s26+s24], $0x1000, s25, s24, $0x38;
	[tilespmem:$0x19000] =	vst v63  }
.LBB2_2:
0x39: {  	s1 =	simm.s32 $0x1  }
0x3a: {  	_ =	swait.ge [sflag:s1], $0x1000  }
0x3b: {  	[sflag:s1] =	ssyncset.done $0x0  }
0x3c: {  	[sflag:s1] =	ssyncadd.s32 $0xFFFFF000  }
0x3d: {  	_ =	swait.ge [sflag:s1], $0x1000  }
0x3e: {  	[sflag:s1] =	ssyncset.done $0x0  }
0x3f: {  	[sflag:s1] =	ssyncadd.s32 $0xFFFFF000  }
0x40: {  	_ =	swait.ge [sflag:s1], $0x1000  }
0x41: {  	[sflag:s1] =	ssyncset.done $0x0  }
0x42: {  	[sflag:s1] =	ssyncadd.s32 $0xFFFFF000  }
0x43: {  	_ =	swait.ge [sflag:s1], $0x1000  }
0x44: {  	p0 =	seq.s32 s19, $0x0;
	[sflag:s1] =	ssyncset.done $0x0  }
0x45: {  	[sflag:s1] =	ssyncadd.s32 $0xFFFFF000;
	s1 =	simm.s32 @!p0 $0x4  }
0x46: {  	_ =	swait.ge @!p0 [sflag:s1], $0x1000  }
0x47: {  	[sflag:s1] =	ssyncset.done @!p0 $0x0  }
0x48: {  	[sflag:s1] =	ssyncadd.s32 @!p0 $0xFFFFF000  }
0x49: {  	_ =	swait.ge @!p0 [sflag:s1], $0x1000  }
0x4a: {  	[sflag:s1] =	ssyncset.done @!p0 $0x0  }
0x4b: {  	[sflag:s1] =	ssyncadd.s32 @!p0 $0xFFFFF000  }
0x4c: {  	_ =	swait.ge @!p0 [sflag:s1], $0x1000  }
0x4d: {  	[sflag:s1] =	ssyncset.done @!p0 $0x0  }
0x4e: {  	[sflag:s1] =	ssyncadd.s32 @!p0 $0xFFFFF000  }
0x4f: {  	_ =	swait.ge @!p0 [sflag:s1], $0x1000  }
0x50: {  	[sflag:s1] =	ssyncset.done @!p0 $0x0  }
0x51: {  	s21 =	simm.s32 $0x20;
	[sflag:s1] =	ssyncadd.s32 @!p0 $0xFFFFF000  }
0x52: {  	v7 =	vld [tilespmem:s21+$0x0]  }
0x53: {  	v4 =	vld [tilespmem:s21+$0x10]  }
0x54: {  	v5 =	vld [tilespmem:s21+$0xFFFFFFF0]  }
0x55: {  	v6 =	vld [tilespmem:s21+$0xFFFFFFE0];
	_ =	sdelay $0x4  }
0x56: {  	v2 =	vld.idx.msk [tilespmem:v7+s28+$0x0], $0xffff  }
0x57: {  	v0 =	vld.idx.msk [tilespmem:v4+s28+$0x0], $0xffff  }
0x58: {  	v1 =	vld.idx.msk [tilespmem:v5+s28+$0x0], $0xffff  }
0x59: {  	v3 =	vld.idx.msk [tilespmem:v6+s28+$0x0], $0xffff  }
0x5a: {  	s22 =	simm.s32 $0xD020;
	s23 =	simm.s32 $0x60  }
0x5b: {  	[tilespmem:s22+$0x0] =	vst v2;
	v2 =	vld [tilespmem:s23+$0x10]  }
0x5c: {  	[tilespmem:s22+$0x10] =	vst v0;
	v0 =	vld [tilespmem:s23+$0xFFFFFFF0]  }
0x5d: {  	[tilespmem:s22+$0xFFFFFFF0] =	vst v1;
	v8 =	vld.idx.msk [tilespmem:v4+s29+$0x0], $0xffff  }
0x5e: {  	[tilespmem:s22+$0xFFFFFFE0] =	vst v3;
	v9 =	vld.idx.msk [tilespmem:v5+s29+$0x0], $0xffff  }
0x5f: {  	v11 =	vld.idx.msk [tilespmem:v6+s29+$0x0], $0xffff  }
0x60: {  	v10 =	vld.idx.msk [tilespmem:v7+s29+$0x0], $0xffff  }
0x61: {  	s13 =	simm.s32 $0xE020;
	v1 =	vld [tilespmem:s23+$0x0]  }
0x62: {  	v3 =	vld [tilespmem:s23+$0xFFFFFFE0];
	[tilespmem:s13+$0x10] =	vst v8  }
0x63: {  	[tilespmem:s13+$0xFFFFFFF0] =	vst v9;
	v8 =	vld.idx.msk [tilespmem:v4+s30+$0x0], $0xffff  }
0x64: {  	[tilespmem:s13+$0xFFFFFFE0] =	vst v11;
	v9 =	vld.idx.msk [tilespmem:v5+s30+$0x0], $0xffff  }
0x65: {  	[tilespmem:s13+$0x0] =	vst v10;
	v10 =	vld.idx.msk [tilespmem:v6+s30+$0x0], $0xffff  }
0x66: {  	v11 =	vld.idx.msk [tilespmem:v7+s30+$0x0], $0xffff  }
0x67: {  	v12 =	vld.idx.msk [tilespmem:v2+s28+$0x0], $0xffff  }
0x68: {  	s14 =	simm.s32 $0xF020;
	v13 =	vld.idx.msk [tilespmem:v0+s28+$0x0], $0xffff  }
0x69: {  	v14 =	vld.idx.msk [tilespmem:v1+s28+$0x0], $0xffff;
	[tilespmem:s14+$0x10] =	vst v8  }
0x6a: {  	[tilespmem:s14+$0xFFFFFFF0] =	vst v9;
	v9 =	vld.idx.msk [tilespmem:v3+s28+$0x0], $0xffff  }
0x6b: {  	[tilespmem:s14+$0xFFFFFFE0] =	vst v10;
	v8 =	vld.idx.msk [tilespmem:v4+s31+$0x0], $0xffff  }
0x6c: {  	s17 =	simm.s32 $0xD060;
	s21 =	smul.u32 $0xC000, s19;
	[tilespmem:s14+$0x0] =	vst v11;
	v10 =	vld.idx.msk [tilespmem:v6+s31+$0x0], $0xffff  }
0x6d: {  	[tilespmem:s17+$0x10] =	vst v12;
	v4 =	vld.idx.msk [tilespmem:v5+s31+$0x0], $0xffff  }
0x6e: {  	s15 =	simm.s32 $0x10020;
	s26 =	sshll.u32 s19, $0x9;
	s2 =	sand.u32 $0x1F8000, s21;
	[tilespmem:s17+$0xFFFFFFF0] =	vst v13;
	v5 =	vld.idx.msk [tilespmem:v7+s31+$0x0], $0xffff  }
0x6f: {  	s20 =	smul.u32 $0x3, s19;
	s2 =	sadd.s32 s16, s2;
	s23 =	sand.u32 $0x200, s26;
	[tilespmem:s17+$0x0] =	vst v14;
	v6 =	vld.idx.msk [tilespmem:v2+s29+$0x0], $0xffff  }
0x70: {  	s12 =	simm.s32 $0xA0;
	s22 =	simm.s32 $0x40;
	s1 =	sor.u32 s23, s2;
	v7 =	vld.idx.msk [tilespmem:v0+s29+$0x0], $0xffff;
	[tilespmem:s17+$0xFFFFFFE0] =	vst v9  }
0x71: {  	s7 =	sor.u32 $0x80, s23;
	s26 =	sor.u32 $0x100, s23;
	s18 =	sor.u32 $0x180, s23;
	[tilespmem:s15+$0x10] =	vst v8;
	v8 =	vld.idx.msk [tilespmem:v1+s29+$0x0], $0xffff  }
0x72: {  	s6 =	sor.u32 s7, s2;
	s16 =	sor.u32 s26, s2;
	s2 =	sor.u32 s18, s2;
	v9 =	vld.idx.msk [tilespmem:v3+s29+$0x0], $0xffff;
	[tilespmem:s15+$0xFFFFFFE0] =	vst v10  }
.LBB2_3:
0x73: {  	v10 =	vld [tilespmem:s12+$0x10];
	s22 =	sadd.s32 $0x40, s22;
	[tilespmem:s15+$0xFFFFFFF0] =	vst v4;
	s13 =	sadd.s32 $0x40, s13  }
0x74: {  	v11 =	vld [tilespmem:s12+$0xFFFFFFF0];
	p1 =	slt.u32 s22, $0xFC0;
	[tilespmem:s13+$0x10] =	vst v6  }
0x75: {  	v4 =	vld.idx.msk [tilespmem:v2+s30+$0x0], $0xffff;
	[tilespmem:s15+$0x0] =	vst v5  }
0x76: {  	v12 =	vld [tilespmem:s12+$0x0];
	[tilespmem:s13+$0xFFFFFFF0] =	vst v7  }
0x77: {  	v5 =	vld [tilespmem:s12+$0xFFFFFFE0];
	[tilespmem:s13+$0x0] =	vst v8  }
0x78: {  	[tilespmem:s13+$0xFFFFFFE0] =	vst v9;
	v6 =	vld.idx.msk [tilespmem:v0+s30+$0x0], $0xffff  }
0x79: {  	v7 =	vld.idx.msk [tilespmem:v3+s30+$0x0], $0xffff  }
0x7a: {  	s14 =	sadd.s32 $0x40, s14;
	v8 =	vld.idx.msk [tilespmem:v1+s30+$0x0], $0xffff  }
0x7b: {  	v9 =	vld.idx.msk [tilespmem:v10+s28+$0x0], $0xffff;
	[tilespmem:s14+$0x10] =	vst v4  }
0x7c: {  	v13 =	vld.idx.msk [tilespmem:v2+s31+$0x0], $0xffff;
	v2 =	vmov v10  }
0x7d: {  	v10 =	vld.idx.msk [tilespmem:v11+s28+$0x0], $0xffff  }
0x7e: {  	v14 =	vld.idx.msk [tilespmem:v12+s28+$0x0], $0xffff;
	[tilespmem:s14+$0xFFFFFFF0] =	vst v6  }
0x7f: {  	v15 =	vld.idx.msk [tilespmem:v5+s28+$0x0], $0xffff;
	[tilespmem:s14+$0xFFFFFFE0] =	vst v7  }
0x80: {  	s17 =	sadd.s32 $0x40, s17;
	v16 =	vld.idx.msk [tilespmem:v3+s31+$0x0], $0xffff;
	[tilespmem:s14+$0x0] =	vst v8;
	v3 =	vmov v5  }
0x81: {  	s15 =	sadd.s32 $0x40, s15;
	[tilespmem:s17+$0x10] =	vst v9;
	v4 =	vld.idx.msk [tilespmem:v0+s31+$0x0], $0xffff;
	v0 =	vmov v11  }
.Ltmp0:
0x82: {  	v6 =	vld.idx.msk [tilespmem:v2+s29+$0x0], $0xffff;
	[tilespmem:s15+$0x10] =	vst v13;
	(pc) =	sbr.rel @p1 .LBB2_3-.Ltmp0, $4  }
0x83: {  	[tilespmem:s17+$0xFFFFFFF0] =	vst v10;
	v5 =	vld.idx.msk [tilespmem:v1+s31+$0x0], $0xffff;
	v1 =	vmov v12  }
0x84: {  	v7 =	vld.idx.msk [tilespmem:v11+s29+$0x0], $0xffff;
	[tilespmem:s17+$0x0] =	vst v14  }
0x85: {  	[tilespmem:s17+$0xFFFFFFE0] =	vst v15;
	v8 =	vld.idx.msk [tilespmem:v12+s29+$0x0], $0xffff  }
0x86: {  	s12 =	sadd.s32 $0x40, s12;
	v9 =	vld.idx.msk [tilespmem:v3+s29+$0x0], $0xffff;
	[tilespmem:s15+$0xFFFFFFE0] =	vst v16  }
0x87: {  	_ =	sdelay $0x1  }
0x88: {  	s12 =	sadd.s32 $0x40, s13  }
0x89: {  	[tilespmem:s12+$0x10] =	vst v6  }
0x8a: {  	v6 =	vld.idx.msk [tilespmem:v2+s30+$0x0], $0xffff;
	[tilespmem:s12+$0xFFFFFFF0] =	vst v7  }
0x8b: {  	[tilespmem:s12+$0x0] =	vst v8;
	v8 =	vld.idx.msk [tilespmem:v0+s30+$0x0], $0xffff  }
0x8c: {  	[tilespmem:s12+$0xFFFFFFE0] =	vst v9;
	v9 =	vld.idx.msk [tilespmem:v1+s30+$0x0], $0xffff  }
0x8d: {  	v7 =	vld.idx.msk [tilespmem:v3+s30+$0x0], $0xffff  }
0x8e: {  	s14 =	sadd.s32 $0x40, s14  }
0x8f: {  	[tilespmem:s14+$0x10] =	vst v6  }
0x90: {  	v2 =	vld.idx.msk [tilespmem:v2+s31+$0x0], $0xffff;
	[tilespmem:s14+$0xFFFFFFF0] =	vst v8  }
0x91: {  	[tilespmem:s14+$0x0] =	vst v9;
	v0 =	vld.idx.msk [tilespmem:v0+s31+$0x0], $0xffff  }
0x92: {  	[tilespmem:s14+$0xFFFFFFE0] =	vst v7;
	v1 =	vld.idx.msk [tilespmem:v1+s31+$0x0], $0xffff  }
0x93: {  	[tilespmem:s15+$0xFFFFFFF0] =	vst v4;
	v3 =	vld.idx.msk [tilespmem:v3+s31+$0x0], $0xffff  }
0x94: {  	s17 =	sadd.s32 $0x40, s15;
	[tilespmem:s15+$0x0] =	vst v5  }
0x95: {  	[tilespmem:s17+$0x10] =	vst v2  }
0x96: {  	[tilespmem:s17+$0xFFFFFFF0] =	vst v0  }
0x97: {  	s1 =	sshrl.u32 s1, $0x3;
	s22 =	simm.s32 $0xD000;
	s12 =	rddreg [dreg:$0x2];
	[tilespmem:s17+$0x0] =	vst v1  }
0x98: {  	s13 =	sshrl.u32 s6, $0x3;
	s6 =	sadd.s32 $0x3, s20;
	s1 =	sadd.s32 s12, s1;
	[tilespmem:s17+$0xFFFFFFE0] =	vst v3  }
0x99: {  	[hbm4b:s1+s24] =	stream.strided.scatter [tilespmem:s22], [sflag:$0x4], $0x1000, s25, s24, $0x38;
	[tilespmem:$0x19000] =	vst v63  }
0x9a: {  	s15 =	sshrl.u32 s16, $0x3;
	s14 =	simm.s32 $0xE000;
	s1 =	sadd.s32 s12, s13  }
0x9b: {  	[hbm4b:s1+s24] =	stream.strided.scatter [tilespmem:s14], [sflag:$0x4], $0x1000, s25, s24, $0x38;
	[tilespmem:$0x19000] =	vst v63  }
0x9c: {  	s16 =	simm.s32 $0xF000;
	s17 =	sshrl.u32 s2, $0x3;
	s1 =	sadd.s32 s12, s15  }
0x9d: {  	[hbm4b:s1+s24] =	stream.strided.scatter [tilespmem:s16], [sflag:$0x4], $0x1000, s25, s24, $0x38;
	[tilespmem:$0x19000] =	vst v63  }
0x9e: {  	s22 =	simm.s32 $0x10000;
	s1 =	sadd.s32 s12, s17;
	s12 =	sshll.u32 s6, $0xE  }
0x9f: {  	[hbm4b:s1+s24] =	stream.strided.scatter [tilespmem:s22], [sflag:$0x4], $0x1000, s25, s24, $0x38;
	[tilespmem:$0x19000] =	vst v63  }
0xa0: {  	s16 =	rddreg [dreg:$0x5];
	s2 =	sand.u32 $0x3F8000, s12;
	s1 =	sshll.u32 s6, $0x9  }
0xa1: {  	s2 =	sadd.s32 s16, s2;
	s1 =	sand.u32 $0x200, s1  }
0xa2: {  	s1 =	sor.u32 s1, s2  }
0xa3: {  	s22 =	rddreg [dreg:$0x0];
	s1 =	sshrl.u32 s1, $0x3  }
0xa4: {  	s1 =	sadd.s32 s22, s1  }
0xa5: {  	[tilespmem:s28], [sflag:$0x1] =	stream.strided.gather [hbm4b:s1+s24], $0x1000, s25, s24, $0x38;
	[tilespmem:$0x19000] =	vst v63  }
0xa6: {  	s13 =	sadd.s32 $0x10, s1  }
0xa7: {  	[tilespmem:s29], [sflag:$0x1] =	stream.strided.gather [hbm4b:s13+s24], $0x1000, s25, s24, $0x38;
	[tilespmem:$0x19000] =	vst v63  }
0xa8: {  	s14 =	sadd.s32 $0x20, s1  }
0xa9: {  	[tilespmem:s30], [sflag:$0x1] =	stream.strided.gather [hbm4b:s14+s24], $0x1000, s25, s24, $0x38;
	[tilespmem:$0x19000] =	vst v63  }
0xaa: {  	s15 =	simm.s32 $0x2;
	s1 =	sadd.s32 $0x30, s1  }
0xab: {  	[tilespmem:s31], [sflag:$0x1] =	stream.strided.gather [hbm4b:s1+s24], $0x1000, s25, s24, $0x38;
	[tilespmem:$0x19000] =	vst v63  }
0xac: {  	_ =	swait.ge [sflag:s15], $0x1000  }
0xad: {  	[sflag:s15] =	ssyncset.done $0x0  }
0xae: {  	[sflag:s15] =	ssyncadd.s32 $0xFFFFF000  }
0xaf: {  	_ =	swait.ge [sflag:s15], $0x1000  }
0xb0: {  	[sflag:s15] =	ssyncset.done $0x0  }
0xb1: {  	[sflag:s15] =	ssyncadd.s32 $0xFFFFF000  }
0xb2: {  	_ =	swait.ge [sflag:s15], $0x1000  }
0xb3: {  	[sflag:s15] =	ssyncset.done $0x0  }
0xb4: {  	[sflag:s15] =	ssyncadd.s32 $0xFFFFF000  }
0xb5: {  	_ =	swait.ge [sflag:s15], $0x1000  }
0xb6: {  	[sflag:s15] =	ssyncset.done $0x0  }
0xb7: {  	s1 =	simm.s32 @!p0 $0x5;
	[sflag:s15] =	ssyncadd.s32 $0xFFFFF000  }
0xb8: {  	_ =	swait.ge @!p0 [sflag:s1], $0x1000  }
0xb9: {  	[sflag:s1] =	ssyncset.done @!p0 $0x0  }
0xba: {  	[sflag:s1] =	ssyncadd.s32 @!p0 $0xFFFFF000  }
0xbb: {  	_ =	swait.ge @!p0 [sflag:s1], $0x1000  }
0xbc: {  	[sflag:s1] =	ssyncset.done @!p0 $0x0  }
0xbd: {  	[sflag:s1] =	ssyncadd.s32 @!p0 $0xFFFFF000  }
0xbe: {  	_ =	swait.ge @!p0 [sflag:s1], $0x1000  }
0xbf: {  	[sflag:s1] =	ssyncset.done @!p0 $0x0  }
0xc0: {  	[sflag:s1] =	ssyncadd.s32 @!p0 $0xFFFFF000  }
0xc1: {  	_ =	swait.ge @!p0 [sflag:s1], $0x1000  }
0xc2: {  	[sflag:s1] =	ssyncset.done @!p0 $0x0  }
0xc3: {  	s17 =	simm.s32 $0x20;
	[sflag:s1] =	ssyncadd.s32 @!p0 $0xFFFFF000  }
0xc4: {  	v7 =	vld [tilespmem:s17+$0x0]  }
0xc5: {  	v4 =	vld [tilespmem:s17+$0x10]  }
0xc6: {  	v5 =	vld [tilespmem:s17+$0xFFFFFFF0]  }
0xc7: {  	v6 =	vld [tilespmem:s17+$0xFFFFFFE0];
	_ =	sdelay $0x4  }
0xc8: {  	v2 =	vld.idx.msk [tilespmem:v7+s0+$0x0], $0xffff  }
0xc9: {  	v0 =	vld.idx.msk [tilespmem:v4+s0+$0x0], $0xffff  }
0xca: {  	v1 =	vld.idx.msk [tilespmem:v5+s0+$0x0], $0xffff  }
0xcb: {  	v3 =	vld.idx.msk [tilespmem:v6+s0+$0x0], $0xffff  }
0xcc: {  	s6 =	simm.s32 $0x60;
	s2 =	simm.s32 $0x11020  }
0xcd: {  	[tilespmem:s2+$0x0] =	vst v2;
	v2 =	vld [tilespmem:s6+$0x10]  }
0xce: {  	[tilespmem:s2+$0x10] =	vst v0;
	v0 =	vld [tilespmem:s6+$0xFFFFFFF0]  }
0xcf: {  	[tilespmem:s2+$0xFFFFFFF0] =	vst v1;
	v8 =	vld.idx.msk [tilespmem:v4+s3+$0x0], $0xffff  }
0xd0: {  	[tilespmem:s2+$0xFFFFFFE0] =	vst v3;
	v9 =	vld.idx.msk [tilespmem:v5+s3+$0x0], $0xffff  }
0xd1: {  	v11 =	vld.idx.msk [tilespmem:v6+s3+$0x0], $0xffff  }
0xd2: {  	v10 =	vld.idx.msk [tilespmem:v7+s3+$0x0], $0xffff  }
0xd3: {  	s13 =	simm.s32 $0x12020;
	v1 =	vld [tilespmem:s6+$0x0]  }
0xd4: {  	v3 =	vld [tilespmem:s6+$0xFFFFFFE0];
	[tilespmem:s13+$0x10] =	vst v8  }
0xd5: {  	[tilespmem:s13+$0xFFFFFFF0] =	vst v9;
	v8 =	vld.idx.msk [tilespmem:v4+s4+$0x0], $0xffff  }
0xd6: {  	[tilespmem:s13+$0xFFFFFFE0] =	vst v11;
	v9 =	vld.idx.msk [tilespmem:v5+s4+$0x0], $0xffff  }
0xd7: {  	[tilespmem:s13+$0x0] =	vst v10;
	v10 =	vld.idx.msk [tilespmem:v6+s4+$0x0], $0xffff  }
0xd8: {  	v11 =	vld.idx.msk [tilespmem:v7+s4+$0x0], $0xffff  }
0xd9: {  	v12 =	vld.idx.msk [tilespmem:v2+s0+$0x0], $0xffff  }
0xda: {  	s14 =	simm.s32 $0x13020;
	v13 =	vld.idx.msk [tilespmem:v0+s0+$0x0], $0xffff  }
0xdb: {  	v14 =	vld.idx.msk [tilespmem:v1+s0+$0x0], $0xffff;
	[tilespmem:s14+$0x10] =	vst v8  }
0xdc: {  	[tilespmem:s14+$0xFFFFFFF0] =	vst v9;
	v9 =	vld.idx.msk [tilespmem:v3+s0+$0x0], $0xffff  }
0xdd: {  	[tilespmem:s14+$0xFFFFFFE0] =	vst v10;
	v8 =	vld.idx.msk [tilespmem:v4+s5+$0x0], $0xffff  }
0xde: {  	s2 =	simm.s32 $0x11060;
	[tilespmem:s14+$0x0] =	vst v11;
	v10 =	vld.idx.msk [tilespmem:v6+s5+$0x0], $0xffff  }
0xdf: {  	[tilespmem:s2+$0x10] =	vst v12;
	v4 =	vld.idx.msk [tilespmem:v5+s5+$0x0], $0xffff  }
0xe0: {  	s12 =	sadd.s32 $0x1, s20;
	[tilespmem:s2+$0xFFFFFFF0] =	vst v13;
	v5 =	vld.idx.msk [tilespmem:v7+s5+$0x0], $0xffff  }
0xe1: {  	s17 =	sshll.u32 s12, $0xE;
	[tilespmem:s2+$0x0] =	vst v14;
	v6 =	vld.idx.msk [tilespmem:v2+s3+$0x0], $0xffff  }
0xe2: {  	s15 =	simm.s32 $0x14020;
	s1 =	sshll.u32 s12, $0x9;
	s6 =	sand.u32 $0x3F8000, s17;
	v7 =	vld.idx.msk [tilespmem:v0+s3+$0x0], $0xffff;
	[tilespmem:s2+$0xFFFFFFE0] =	vst v9  }
0xe3: {  	s1 =	sand.u32 $0x200, s1;
	s6 =	sadd.s32 s16, s6;
	[tilespmem:s15+$0x10] =	vst v8;
	v8 =	vld.idx.msk [tilespmem:v1+s3+$0x0], $0xffff  }
0xe4: {  	s12 =	simm.s32 $0xA0;
	s1 =	sor.u32 s1, s6;
	s6 =	simm.s32 $0x40;
	v9 =	vld.idx.msk [tilespmem:v3+s3+$0x0], $0xffff;
	[tilespmem:s15+$0xFFFFFFE0] =	vst v10  }
.LBB2_5:
0xe5: {  	v10 =	vld [tilespmem:s12+$0x10];
	s6 =	sadd.s32 $0x40, s6;
	[tilespmem:s15+$0xFFFFFFF0] =	vst v4;
	s13 =	sadd.s32 $0x40, s13  }
0xe6: {  	v11 =	vld [tilespmem:s12+$0xFFFFFFF0];
	p1 =	slt.u32 s6, $0xFC0;
	[tilespmem:s13+$0x10] =	vst v6  }
0xe7: {  	v4 =	vld.idx.msk [tilespmem:v2+s4+$0x0], $0xffff;
	[tilespmem:s15+$0x0] =	vst v5  }
0xe8: {  	v12 =	vld [tilespmem:s12+$0x0];
	[tilespmem:s13+$0xFFFFFFF0] =	vst v7  }
0xe9: {  	v5 =	vld [tilespmem:s12+$0xFFFFFFE0];
	[tilespmem:s13+$0x0] =	vst v8  }
0xea: {  	[tilespmem:s13+$0xFFFFFFE0] =	vst v9;
	v6 =	vld.idx.msk [tilespmem:v0+s4+$0x0], $0xffff  }
0xeb: {  	v7 =	vld.idx.msk [tilespmem:v3+s4+$0x0], $0xffff  }
0xec: {  	s14 =	sadd.s32 $0x40, s14;
	v8 =	vld.idx.msk [tilespmem:v1+s4+$0x0], $0xffff  }
0xed: {  	v9 =	vld.idx.msk [tilespmem:v10+s0+$0x0], $0xffff;
	[tilespmem:s14+$0x10] =	vst v4  }
0xee: {  	v13 =	vld.idx.msk [tilespmem:v2+s5+$0x0], $0xffff;
	v2 =	vmov v10  }
0xef: {  	v10 =	vld.idx.msk [tilespmem:v11+s0+$0x0], $0xffff  }
0xf0: {  	v14 =	vld.idx.msk [tilespmem:v12+s0+$0x0], $0xffff;
	[tilespmem:s14+$0xFFFFFFF0] =	vst v6  }
0xf1: {  	v15 =	vld.idx.msk [tilespmem:v5+s0+$0x0], $0xffff;
	[tilespmem:s14+$0xFFFFFFE0] =	vst v7  }
0xf2: {  	s2 =	sadd.s32 $0x40, s2;
	v16 =	vld.idx.msk [tilespmem:v3+s5+$0x0], $0xffff;
	[tilespmem:s14+$0x0] =	vst v8;
	v3 =	vmov v5  }
0xf3: {  	s15 =	sadd.s32 $0x40, s15;
	[tilespmem:s2+$0x10] =	vst v9;
	v4 =	vld.idx.msk [tilespmem:v0+s5+$0x0], $0xffff;
	v0 =	vmov v11  }
.Ltmp1:
0xf4: {  	v6 =	vld.idx.msk [tilespmem:v2+s3+$0x0], $0xffff;
	[tilespmem:s15+$0x10] =	vst v13;
	(pc) =	sbr.rel @p1 .LBB2_5-.Ltmp1, $4  }
0xf5: {  	[tilespmem:s2+$0xFFFFFFF0] =	vst v10;
	v5 =	vld.idx.msk [tilespmem:v1+s5+$0x0], $0xffff;
	v1 =	vmov v12  }
0xf6: {  	v7 =	vld.idx.msk [tilespmem:v11+s3+$0x0], $0xffff;
	[tilespmem:s2+$0x0] =	vst v14  }
0xf7: {  	[tilespmem:s2+$0xFFFFFFE0] =	vst v15;
	v8 =	vld.idx.msk [tilespmem:v12+s3+$0x0], $0xffff  }
0xf8: {  	s12 =	sadd.s32 $0x40, s12;
	v9 =	vld.idx.msk [tilespmem:v3+s3+$0x0], $0xffff;
	[tilespmem:s15+$0xFFFFFFE0] =	vst v16  }
0xf9: {  	_ =	sdelay $0x1  }
0xfa: {  	s2 =	sadd.s32 $0x40, s13  }
0xfb: {  	[tilespmem:s2+$0x10] =	vst v6  }
0xfc: {  	v6 =	vld.idx.msk [tilespmem:v2+s4+$0x0], $0xffff;
	[tilespmem:s2+$0xFFFFFFF0] =	vst v7  }
0xfd: {  	[tilespmem:s2+$0x0] =	vst v8;
	v8 =	vld.idx.msk [tilespmem:v0+s4+$0x0], $0xffff  }
0xfe: {  	[tilespmem:s2+$0xFFFFFFE0] =	vst v9;
	v9 =	vld.idx.msk [tilespmem:v1+s4+$0x0], $0xffff  }
0xff: {  	v7 =	vld.idx.msk [tilespmem:v3+s4+$0x0], $0xffff  }
0x100: {  	s12 =	sadd.s32 $0x40, s14  }
0x101: {  	[tilespmem:s12+$0x10] =	vst v6  }
0x102: {  	v2 =	vld.idx.msk [tilespmem:v2+s5+$0x0], $0xffff;
	[tilespmem:s12+$0xFFFFFFF0] =	vst v8  }
0x103: {  	[tilespmem:s12+$0x0] =	vst v9;
	v0 =	vld.idx.msk [tilespmem:v0+s5+$0x0], $0xffff  }
0x104: {  	[tilespmem:s12+$0xFFFFFFE0] =	vst v7;
	v1 =	vld.idx.msk [tilespmem:v1+s5+$0x0], $0xffff  }
0x105: {  	[tilespmem:s15+$0xFFFFFFF0] =	vst v4;
	v3 =	vld.idx.msk [tilespmem:v3+s5+$0x0], $0xffff  }
0x106: {  	s13 =	sadd.s32 $0x40, s15;
	[tilespmem:s15+$0x0] =	vst v5  }
0x107: {  	[tilespmem:s13+$0x10] =	vst v2  }
0x108: {  	[tilespmem:s13+$0xFFFFFFF0] =	vst v0  }
0x109: {  	s1 =	sshrl.u32 s1, $0x3;
	s14 =	rddreg [dreg:$0x2];
	[tilespmem:s13+$0x0] =	vst v1  }
0x10a: {  	s1 =	sadd.s32 s14, s1;
	s15 =	simm.s32 $0x11000;
	[tilespmem:s13+$0xFFFFFFE0] =	vst v3  }
0x10b: {  	[hbm4b:s1+s24] =	stream.strided.scatter [tilespmem:s15], [sflag:$0x5], $0x1000, s25, s24, $0x38;
	[tilespmem:$0x19000] =	vst v63  }
0x10c: {  	s6 =	simm.s32 $0x12000;
	s17 =	sadd.s32 $0x10, s1  }
0x10d: {  	[hbm4b:s17+s24] =	stream.strided.scatter [tilespmem:s6], [sflag:$0x5], $0x1000, s25, s24, $0x38;
	[tilespmem:$0x19000] =	vst v63  }
0x10e: {  	s12 =	sadd.s32 $0x20, s1;
	s13 =	simm.s32 $0x13000  }
0x10f: {  	[hbm4b:s12+s24] =	stream.strided.scatter [tilespmem:s13], [sflag:$0x5], $0x1000, s25, s24, $0x38;
	[tilespmem:$0x19000] =	vst v63  }
0x110: {  	p1 =	seq.s32 s19, $0x14;
	s14 =	simm.s32 $0x14000;
	s1 =	sadd.s32 $0x30, s1  }
0x111: {  	[hbm4b:s1+s24] =	stream.strided.scatter [tilespmem:s14], [sflag:$0x5], $0x1000, s25, s24, $0x38;
	[tilespmem:$0x19000] =	vst v63  }
0x112: {  	s1 =	sadd.s32 @!p1 $0x10000, s21  }
0x113: {  	s1 =	sand.u32 @!p1 $0x3F8000, s1  }
0x114: {  	s1 =	sadd.s32 @!p1 s16, s1  }
0x115: {  	s2 =	sor.u32 @!p1 s23, s1  }
0x116: {  	s6 =	simm.s32 @!p1 $0x80;
	s2 =	sshrl.u32 @!p1 s2, $0x3  }
0x117: {  	s12 =	simm.s32 @!p1 $0x400;
	s13 =	simm.s32 @!p1 $0x5000;
	s2 =	sadd.s32 @!p1 s22, s2  }
0x118: {  	[tilespmem:s13], [sflag:$0x2] =	stream.strided.gather @!p1 [hbm4b:s2+s6], $0x1000, s12, s6, $0x38;
	[tilespmem:$0x19000] =	vst v63  }
0x119: {  	s2 =	sor.u32 @!p1 s7, s1  }
0x11a: {  	s2 =	sshrl.u32 @!p1 s2, $0x3  }
0x11b: {  	s13 =	simm.s32 @!p1 $0x6000;
	s2 =	sadd.s32 @!p1 s22, s2  }
0x11c: {  	[tilespmem:s13], [sflag:$0x2] =	stream.strided.gather @!p1 [hbm4b:s2+s6], $0x1000, s12, s6, $0x38;
	[tilespmem:$0x19000] =	vst v63  }
0x11d: {  	s2 =	sor.u32 @!p1 s26, s1  }
0x11e: {  	s1 =	sor.u32 @!p1 s18, s1;
	s2 =	sshrl.u32 @!p1 s2, $0x3  }
0x11f: {  	s13 =	simm.s32 @!p1 $0x7000;
	s1 =	sshrl.u32 @!p1 s1, $0x3;
	s2 =	sadd.s32 @!p1 s22, s2  }
0x120: {  	[tilespmem:s13], [sflag:$0x2] =	stream.strided.gather @!p1 [hbm4b:s2+s6], $0x1000, s12, s6, $0x38;
	[tilespmem:$0x19000] =	vst v63  }
0x121: {  	s15 =	simm.s32 $0x3;
	s1 =	sadd.s32 @!p1 s22, s1;
	s2 =	simm.s32 @!p1 $0x8000  }
0x122: {  	[tilespmem:s2], [sflag:$0x2] =	stream.strided.gather @!p1 [hbm4b:s1+s6], $0x1000, s12, s6, $0x38;
	[tilespmem:$0x19000] =	vst v63  }
0x123: {  	_ =	swait.ge [sflag:s15], $0x1000  }
0x124: {  	[sflag:s15] =	ssyncset.done $0x0  }
0x125: {  	[sflag:s15] =	ssyncadd.s32 $0xFFFFF000  }
0x126: {  	_ =	swait.ge [sflag:s15], $0x1000  }
0x127: {  	[sflag:s15] =	ssyncset.done $0x0  }
0x128: {  	[sflag:s15] =	ssyncadd.s32 $0xFFFFF000  }
0x129: {  	_ =	swait.ge [sflag:s15], $0x1000  }
0x12a: {  	[sflag:s15] =	ssyncset.done $0x0  }
0x12b: {  	[sflag:s15] =	ssyncadd.s32 $0xFFFFF000  }
0x12c: {  	_ =	swait.ge [sflag:s15], $0x1000  }
0x12d: {  	[sflag:s15] =	ssyncset.done $0x0  }
0x12e: {  	s1 =	simm.s32 @!p0 $0x6;
	[sflag:s15] =	ssyncadd.s32 $0xFFFFF000  }
0x12f: {  	_ =	swait.ge @!p0 [sflag:s1], $0x1000  }
0x130: {  	[sflag:s1] =	ssyncset.done @!p0 $0x0  }
0x131: {  	[sflag:s1] =	ssyncadd.s32 @!p0 $0xFFFFF000  }
0x132: {  	_ =	swait.ge @!p0 [sflag:s1], $0x1000  }
0x133: {  	[sflag:s1] =	ssyncset.done @!p0 $0x0  }
0x134: {  	[sflag:s1] =	ssyncadd.s32 @!p0 $0xFFFFF000  }
0x135: {  	_ =	swait.ge @!p0 [sflag:s1], $0x1000  }
0x136: {  	[sflag:s1] =	ssyncset.done @!p0 $0x0  }
0x137: {  	[sflag:s1] =	ssyncadd.s32 @!p0 $0xFFFFF000  }
0x138: {  	_ =	swait.ge @!p0 [sflag:s1], $0x1000  }
0x139: {  	[sflag:s1] =	ssyncset.done @!p0 $0x0  }
0x13a: {  	s17 =	simm.s32 $0x20;
	[sflag:s1] =	ssyncadd.s32 @!p0 $0xFFFFF000  }
0x13b: {  	v7 =	vld [tilespmem:s17+$0x0]  }
0x13c: {  	v4 =	vld [tilespmem:s17+$0x10]  }
0x13d: {  	v5 =	vld [tilespmem:s17+$0xFFFFFFF0]  }
0x13e: {  	v6 =	vld [tilespmem:s17+$0xFFFFFFE0];
	_ =	sdelay $0x4  }
0x13f: {  	v2 =	vld.idx.msk [tilespmem:v7+s8+$0x0], $0xffff  }
0x140: {  	v0 =	vld.idx.msk [tilespmem:v4+s8+$0x0], $0xffff  }
0x141: {  	v1 =	vld.idx.msk [tilespmem:v5+s8+$0x0], $0xffff  }
0x142: {  	v3 =	vld.idx.msk [tilespmem:v6+s8+$0x0], $0xffff  }
0x143: {  	s2 =	simm.s32 $0x15020;
	s6 =	simm.s32 $0x60  }
0x144: {  	[tilespmem:s2+$0x0] =	vst v2;
	v2 =	vld [tilespmem:s6+$0x10]  }
0x145: {  	[tilespmem:s2+$0x10] =	vst v0;
	v0 =	vld [tilespmem:s6+$0xFFFFFFF0]  }
0x146: {  	[tilespmem:s2+$0xFFFFFFF0] =	vst v1;
	v8 =	vld.idx.msk [tilespmem:v4+s9+$0x0], $0xffff  }
0x147: {  	[tilespmem:s2+$0xFFFFFFE0] =	vst v3;
	v9 =	vld.idx.msk [tilespmem:v5+s9+$0x0], $0xffff  }
0x148: {  	v11 =	vld.idx.msk [tilespmem:v6+s9+$0x0], $0xffff  }
0x149: {  	v10 =	vld.idx.msk [tilespmem:v7+s9+$0x0], $0xffff  }
0x14a: {  	s13 =	simm.s32 $0x16020;
	v1 =	vld [tilespmem:s6+$0x0]  }
0x14b: {  	v3 =	vld [tilespmem:s6+$0xFFFFFFE0];
	[tilespmem:s13+$0x10] =	vst v8  }
0x14c: {  	[tilespmem:s13+$0xFFFFFFF0] =	vst v9;
	v8 =	vld.idx.msk [tilespmem:v4+s10+$0x0], $0xffff  }
0x14d: {  	[tilespmem:s13+$0xFFFFFFE0] =	vst v11;
	v9 =	vld.idx.msk [tilespmem:v5+s10+$0x0], $0xffff  }
0x14e: {  	[tilespmem:s13+$0x0] =	vst v10;
	v10 =	vld.idx.msk [tilespmem:v6+s10+$0x0], $0xffff  }
0x14f: {  	v11 =	vld.idx.msk [tilespmem:v7+s10+$0x0], $0xffff  }
0x150: {  	v12 =	vld.idx.msk [tilespmem:v2+s8+$0x0], $0xffff  }
0x151: {  	s14 =	simm.s32 $0x17020;
	v13 =	vld.idx.msk [tilespmem:v0+s8+$0x0], $0xffff  }
0x152: {  	v14 =	vld.idx.msk [tilespmem:v1+s8+$0x0], $0xffff;
	[tilespmem:s14+$0x10] =	vst v8  }
0x153: {  	[tilespmem:s14+$0xFFFFFFF0] =	vst v9;
	v9 =	vld.idx.msk [tilespmem:v3+s8+$0x0], $0xffff  }
0x154: {  	[tilespmem:s14+$0xFFFFFFE0] =	vst v10;
	v8 =	vld.idx.msk [tilespmem:v4+s11+$0x0], $0xffff  }
0x155: {  	s17 =	simm.s32 $0x15060;
	[tilespmem:s14+$0x0] =	vst v11;
	v10 =	vld.idx.msk [tilespmem:v6+s11+$0x0], $0xffff  }
0x156: {  	[tilespmem:s17+$0x10] =	vst v12;
	v4 =	vld.idx.msk [tilespmem:v5+s11+$0x0], $0xffff  }
0x157: {  	s12 =	sadd.s32 $0x8000, s21;
	[tilespmem:s17+$0xFFFFFFF0] =	vst v13;
	v5 =	vld.idx.msk [tilespmem:v7+s11+$0x0], $0xffff  }
0x158: {  	s1 =	sand.u32 $0x3F8000, s12;
	[tilespmem:s17+$0x0] =	vst v14;
	v6 =	vld.idx.msk [tilespmem:v2+s9+$0x0], $0xffff  }
0x159: {  	s15 =	simm.s32 $0x18020;
	s21 =	sadd.s32 s16, s1;
	v7 =	vld.idx.msk [tilespmem:v0+s9+$0x0], $0xffff;
	[tilespmem:s17+$0xFFFFFFE0] =	vst v9  }
0x15a: {  	s12 =	simm.s32 $0xA0;
	s16 =	sor.u32 s23, s21;
	s1 =	sor.u32 s26, s21;
	[tilespmem:s15+$0x10] =	vst v8;
	v8 =	vld.idx.msk [tilespmem:v1+s9+$0x0], $0xffff  }
0x15b: {  	s6 =	sor.u32 s7, s21;
	s2 =	sor.u32 s18, s21;
	s7 =	simm.s32 $0x40;
	v9 =	vld.idx.msk [tilespmem:v3+s9+$0x0], $0xffff;
	[tilespmem:s15+$0xFFFFFFE0] =	vst v10  }
.LBB2_7:
0x15c: {  	v10 =	vld [tilespmem:s12+$0x10];
	s7 =	sadd.s32 $0x40, s7;
	[tilespmem:s15+$0xFFFFFFF0] =	vst v4;
	s13 =	sadd.s32 $0x40, s13  }
0x15d: {  	v11 =	vld [tilespmem:s12+$0xFFFFFFF0];
	p0 =	slt.u32 s7, $0xFC0;
	[tilespmem:s13+$0x10] =	vst v6  }
0x15e: {  	v4 =	vld.idx.msk [tilespmem:v2+s10+$0x0], $0xffff;
	[tilespmem:s15+$0x0] =	vst v5  }
0x15f: {  	v12 =	vld [tilespmem:s12+$0x0];
	[tilespmem:s13+$0xFFFFFFF0] =	vst v7  }
0x160: {  	v5 =	vld [tilespmem:s12+$0xFFFFFFE0];
	[tilespmem:s13+$0x0] =	vst v8  }
0x161: {  	[tilespmem:s13+$0xFFFFFFE0] =	vst v9;
	v6 =	vld.idx.msk [tilespmem:v0+s10+$0x0], $0xffff  }
0x162: {  	v7 =	vld.idx.msk [tilespmem:v3+s10+$0x0], $0xffff  }
0x163: {  	s14 =	sadd.s32 $0x40, s14;
	v8 =	vld.idx.msk [tilespmem:v1+s10+$0x0], $0xffff  }
0x164: {  	v9 =	vld.idx.msk [tilespmem:v10+s8+$0x0], $0xffff;
	[tilespmem:s14+$0x10] =	vst v4  }
0x165: {  	v13 =	vld.idx.msk [tilespmem:v2+s11+$0x0], $0xffff;
	v2 =	vmov v10  }
0x166: {  	v10 =	vld.idx.msk [tilespmem:v11+s8+$0x0], $0xffff  }
0x167: {  	v14 =	vld.idx.msk [tilespmem:v12+s8+$0x0], $0xffff;
	[tilespmem:s14+$0xFFFFFFF0] =	vst v6  }
0x168: {  	v15 =	vld.idx.msk [tilespmem:v5+s8+$0x0], $0xffff;
	[tilespmem:s14+$0xFFFFFFE0] =	vst v7  }
0x169: {  	s17 =	sadd.s32 $0x40, s17;
	v16 =	vld.idx.msk [tilespmem:v3+s11+$0x0], $0xffff;
	[tilespmem:s14+$0x0] =	vst v8;
	v3 =	vmov v5  }
0x16a: {  	s15 =	sadd.s32 $0x40, s15;
	[tilespmem:s17+$0x10] =	vst v9;
	v4 =	vld.idx.msk [tilespmem:v0+s11+$0x0], $0xffff;
	v0 =	vmov v11  }
.Ltmp2:
0x16b: {  	v6 =	vld.idx.msk [tilespmem:v2+s9+$0x0], $0xffff;
	[tilespmem:s15+$0x10] =	vst v13;
	(pc) =	sbr.rel @p0 .LBB2_7-.Ltmp2, $4  }
0x16c: {  	[tilespmem:s17+$0xFFFFFFF0] =	vst v10;
	v5 =	vld.idx.msk [tilespmem:v1+s11+$0x0], $0xffff;
	v1 =	vmov v12  }
0x16d: {  	v7 =	vld.idx.msk [tilespmem:v11+s9+$0x0], $0xffff;
	[tilespmem:s17+$0x0] =	vst v14  }
0x16e: {  	[tilespmem:s17+$0xFFFFFFE0] =	vst v15;
	v8 =	vld.idx.msk [tilespmem:v12+s9+$0x0], $0xffff  }
0x16f: {  	s12 =	sadd.s32 $0x40, s12;
	v9 =	vld.idx.msk [tilespmem:v3+s9+$0x0], $0xffff;
	[tilespmem:s15+$0xFFFFFFE0] =	vst v16  }
0x170: {  	_ =	sdelay $0x1  }
0x171: {  	s7 =	sadd.s32 $0x40, s13  }
0x172: {  	[tilespmem:s7+$0x10] =	vst v6  }
0x173: {  	v6 =	vld.idx.msk [tilespmem:v2+s10+$0x0], $0xffff;
	[tilespmem:s7+$0xFFFFFFF0] =	vst v7  }
0x174: {  	[tilespmem:s7+$0x0] =	vst v8;
	v58 =	vld.idx.msk [tilespmem:v0+s10+$0x0], $0xffff  }
0x175: {  	[tilespmem:s7+$0xFFFFFFE0] =	vst v9;
	v59 =	vld.idx.msk [tilespmem:v1+s10+$0x0], $0xffff  }
0x176: {  	v57 =	vld.idx.msk [tilespmem:v3+s10+$0x0], $0xffff  }
0x177: {  	s13 =	sadd.s32 $0x40, s14  }
0x178: {  	[tilespmem:s13+$0x10] =	vst v6  }
0x179: {  	v60 =	vld.idx.msk [tilespmem:v2+s11+$0x0], $0xffff;
	[tilespmem:s13+$0xFFFFFFF0] =	vst v58  }
0x17a: {  	[tilespmem:s13+$0x0] =	vst v59;
	v62 =	vld.idx.msk [tilespmem:v0+s11+$0x0], $0xffff  }
0x17b: {  	[tilespmem:s13+$0xFFFFFFE0] =	vst v57;
	v63 =	vld.idx.msk [tilespmem:v1+s11+$0x0], $0xffff  }
0x17c: {  	[tilespmem:s15+$0xFFFFFFF0] =	vst v4;
	v61 =	vld.idx.msk [tilespmem:v3+s11+$0x0], $0xffff  }
0x17d: {  	s14 =	sadd.s32 $0x40, s15;
	[tilespmem:s15+$0x0] =	vst v5  }
0x17e: {  	[tilespmem:s14+$0x10] =	vst v60  }
0x17f: {  	[tilespmem:s14+$0xFFFFFFF0] =	vst v62  }
0x180: {  	s12 =	sshrl.u32 s16, $0x3;
	s15 =	rddreg [dreg:$0x2];
	[tilespmem:s14+$0x0] =	vst v63  }
0x181: {  	s17 =	simm.s32 $0x15000;
	s6 =	sshrl.u32 s6, $0x3;
	s16 =	sadd.s32 s15, s12;
	[tilespmem:s14+$0xFFFFFFE0] =	vst v61  }
0x182: {  	[hbm4b:s16+s24] =	stream.strided.scatter [tilespmem:s17], [sflag:$0x6], $0x1000, s25, s24, $0x38;
	[tilespmem:$0x19000] =	vst v63  }
0x183: {  	s18 =	simm.s32 $0x16000;
	s6 =	sadd.s32 s15, s6  }
0x184: {  	[hbm4b:s6+s24] =	stream.strided.scatter [tilespmem:s18], [sflag:$0x6], $0x1000, s25, s24, $0x38;
	[tilespmem:$0x19000] =	vst v63  }
.Ltmp3:
0x185: {  	s1 =	sshrl.u32 s1, $0x3;
	(pc) =	sbr.rel @p1 .LBB2_10-.Ltmp3, $4  }
0x186: {  	s21 =	simm.s32 $0x17000;
	s23 =	sshrl.u32 s2, $0x3;
	s1 =	sadd.s32 s15, s1  }
0x187: {  	[hbm4b:s1+s24] =	stream.strided.scatter [tilespmem:s21], [sflag:$0x6], $0x1000, s25, s24, $0x38;
	[tilespmem:$0x19000] =	vst v63  }
0x188: {  	s26 =	simm.s32 $0x18000;
	s1 =	sadd.s32 s15, s23  }
0x189: {  	[hbm4b:s1+s24] =	stream.strided.scatter [tilespmem:s26], [sflag:$0x6], $0x1000, s25, s24, $0x38;
	[tilespmem:$0x19000] =	vst v63  }
0x18a: {  	s1 =	sadd.s32 $0x5, s20  }
0x18b: {  	s2 =	sshll.u32 s1, $0xE  }
0x18c: {  	s16 =	rddreg [dreg:$0x5];
	s1 =	sshll.u32 s1, $0x9;
	s2 =	sand.u32 $0x3F8000, s2  }
0x18d: {  	s1 =	sand.u32 $0x200, s1;
	s2 =	sadd.s32 s16, s2  }
0x18e: {  	s1 =	sor.u32 s1, s2  }
0x18f: {  	s1 =	sshrl.u32 s1, $0x3  }
0x190: {  	s1 =	sadd.s32 s22, s1  }
0x191: {  	[tilespmem:s8], [sflag:$0x3] =	stream.strided.gather [hbm4b:s1+s24], $0x1000, s25, s24, $0x38;
	[tilespmem:$0x19000] =	vst v63  }
0x192: {  	s23 =	sadd.s32 $0x10, s1  }
0x193: {  	[tilespmem:s9], [sflag:$0x3] =	stream.strided.gather [hbm4b:s23+s24], $0x1000, s25, s24, $0x38;
	[tilespmem:$0x19000] =	vst v63  }
.Ltmp4:
0x194: {  	_ = 	snop;
	(pc) =	sbr.rel .LBB2_2-.Ltmp4, $4  }
0x195: {  	s26 =	sadd.s32 $0x20, s1  }
0x196: {  	[tilespmem:s10], [sflag:$0x3] =	stream.strided.gather [hbm4b:s26+s24], $0x1000, s25, s24, $0x38;
	[tilespmem:$0x19000] =	vst v63  }
0x197: {  	s19 =	sadd.s32 $0x1, s19;
	s1 =	sadd.s32 $0x30, s1  }
0x198: {  	[tilespmem:s11], [sflag:$0x3] =	stream.strided.gather [hbm4b:s1+s24], $0x1000, s25, s24, $0x38;
	[tilespmem:$0x19000] =	vst v63  }
.LBB2_10:
0x199: {  	s1 =	simm.s32 $0x1  }
0x19a: {  	_ =	swait.ge [sflag:s1], $0x1000  }
0x19b: {  	[sflag:s1] =	ssyncset.done $0x0  }
0x19c: {  	[sflag:s1] =	ssyncadd.s32 $0xFFFFF000  }
0x19d: {  	_ =	swait.ge [sflag:s1], $0x1000  }
0x19e: {  	[sflag:s1] =	ssyncset.done $0x0  }
0x19f: {  	[sflag:s1] =	ssyncadd.s32 $0xFFFFF000  }
0x1a0: {  	_ =	swait.ge [sflag:s1], $0x1000  }
0x1a1: {  	[sflag:s1] =	ssyncset.done $0x0  }
0x1a2: {  	[sflag:s1] =	ssyncadd.s32 $0xFFFFF000  }
0x1a3: {  	_ =	swait.ge [sflag:s1], $0x1000  }
0x1a4: {  	[sflag:s1] =	ssyncset.done $0x0  }
0x1a5: {  	s14 =	simm.s32 $0x4;
	[sflag:s1] =	ssyncadd.s32 $0xFFFFF000  }
0x1a6: {  	_ =	swait.ge [sflag:s14], $0x1000  }
0x1a7: {  	[sflag:s14] =	ssyncset.done $0x0  }
0x1a8: {  	[sflag:s14] =	ssyncadd.s32 $0xFFFFF000  }
0x1a9: {  	_ =	swait.ge [sflag:s14], $0x1000  }
0x1aa: {  	[sflag:s14] =	ssyncset.done $0x0  }
0x1ab: {  	[sflag:s14] =	ssyncadd.s32 $0xFFFFF000  }
0x1ac: {  	_ =	swait.ge [sflag:s14], $0x1000  }
0x1ad: {  	[sflag:s14] =	ssyncset.done $0x0  }
0x1ae: {  	[sflag:s14] =	ssyncadd.s32 $0xFFFFF000  }
0x1af: {  	_ =	swait.ge [sflag:s14], $0x1000  }
0x1b0: {  	[sflag:s14] =	ssyncset.done $0x0  }
0x1b1: {  	s22 =	simm.s32 $0x20;
	[sflag:s14] =	ssyncadd.s32 $0xFFFFF000  }
0x1b2: {  	v7 =	vld [tilespmem:s22+$0x0]  }
0x1b3: {  	v4 =	vld [tilespmem:s22+$0x10]  }
0x1b4: {  	v5 =	vld [tilespmem:s22+$0xFFFFFFF0]  }
0x1b5: {  	v6 =	vld [tilespmem:s22+$0xFFFFFFE0];
	_ =	sdelay $0x4  }
0x1b6: {  	v2 =	vld.idx.msk [tilespmem:v7+s28+$0x0], $0xffff  }
0x1b7: {  	v0 =	vld.idx.msk [tilespmem:v4+s28+$0x0], $0xffff  }
0x1b8: {  	v1 =	vld.idx.msk [tilespmem:v5+s28+$0x0], $0xffff  }
0x1b9: {  	v3 =	vld.idx.msk [tilespmem:v6+s28+$0x0], $0xffff  }
0x1ba: {  	s23 =	simm.s32 $0xD020;
	s26 =	simm.s32 $0x60  }
0x1bb: {  	[tilespmem:s23+$0x0] =	vst v2;
	v2 =	vld [tilespmem:s26+$0x10]  }
0x1bc: {  	[tilespmem:s23+$0x10] =	vst v0;
	v0 =	vld [tilespmem:s26+$0xFFFFFFF0]  }
0x1bd: {  	[tilespmem:s23+$0xFFFFFFF0] =	vst v1;
	v8 =	vld.idx.msk [tilespmem:v4+s29+$0x0], $0xffff  }
0x1be: {  	[tilespmem:s23+$0xFFFFFFE0] =	vst v3;
	v9 =	vld.idx.msk [tilespmem:v5+s29+$0x0], $0xffff  }
0x1bf: {  	v11 =	vld.idx.msk [tilespmem:v6+s29+$0x0], $0xffff  }
0x1c0: {  	v10 =	vld.idx.msk [tilespmem:v7+s29+$0x0], $0xffff  }
0x1c1: {  	s7 =	simm.s32 $0xE020;
	v1 =	vld [tilespmem:s26+$0x0]  }
0x1c2: {  	v3 =	vld [tilespmem:s26+$0xFFFFFFE0];
	[tilespmem:s7+$0x10] =	vst v8  }
0x1c3: {  	[tilespmem:s7+$0xFFFFFFF0] =	vst v9;
	v8 =	vld.idx.msk [tilespmem:v4+s30+$0x0], $0xffff  }
0x1c4: {  	[tilespmem:s7+$0xFFFFFFE0] =	vst v11;
	v9 =	vld.idx.msk [tilespmem:v5+s30+$0x0], $0xffff  }
0x1c5: {  	[tilespmem:s7+$0x0] =	vst v10;
	v10 =	vld.idx.msk [tilespmem:v6+s30+$0x0], $0xffff  }
0x1c6: {  	v11 =	vld.idx.msk [tilespmem:v7+s30+$0x0], $0xffff  }
0x1c7: {  	s1 =	simm.s32 $0xF020;
	v12 =	vld.idx.msk [tilespmem:v2+s28+$0x0], $0xffff  }
0x1c8: {  	v13 =	vld.idx.msk [tilespmem:v0+s28+$0x0], $0xffff;
	[tilespmem:s1+$0x10] =	vst v8  }
0x1c9: {  	v14 =	vld.idx.msk [tilespmem:v1+s28+$0x0], $0xffff;
	[tilespmem:s1+$0xFFFFFFF0] =	vst v9  }
0x1ca: {  	v9 =	vld.idx.msk [tilespmem:v3+s28+$0x0], $0xffff;
	[tilespmem:s1+$0xFFFFFFE0] =	vst v10  }
0x1cb: {  	s6 =	simm.s32 $0xD060;
	[tilespmem:s1+$0x0] =	vst v11;
	v8 =	vld.idx.msk [tilespmem:v4+s31+$0x0], $0xffff  }
0x1cc: {  	v10 =	vld.idx.msk [tilespmem:v6+s31+$0x0], $0xffff;
	[tilespmem:s6+$0x10] =	vst v12  }
0x1cd: {  	v4 =	vld.idx.msk [tilespmem:v5+s31+$0x0], $0xffff;
	[tilespmem:s6+$0xFFFFFFF0] =	vst v13  }
0x1ce: {  	v5 =	vld.idx.msk [tilespmem:v7+s31+$0x0], $0xffff;
	[tilespmem:s6+$0x0] =	vst v14  }
0x1cf: {  	s2 =	simm.s32 $0x10020;
	v6 =	vld.idx.msk [tilespmem:v2+s29+$0x0], $0xffff;
	[tilespmem:s6+$0xFFFFFFE0] =	vst v9  }
0x1d0: {  	v7 =	vld.idx.msk [tilespmem:v0+s29+$0x0], $0xffff;
	[tilespmem:s2+$0x10] =	vst v8  }
0x1d1: {  	v8 =	vld.idx.msk [tilespmem:v1+s29+$0x0], $0xffff;
	[tilespmem:s2+$0xFFFFFFE0] =	vst v10  }
0x1d2: {  	s13 =	simm.s32 $0x40;
	s12 =	simm.s32 $0xA0;
	v9 =	vld.idx.msk [tilespmem:v3+s29+$0x0], $0xffff;
	s16 =	rddreg [dreg:$0x5]  }
.LBB2_11:
0x1d3: {  	v10 =	vld [tilespmem:s12+$0x10];
	s13 =	sadd.s32 $0x40, s13;
	[tilespmem:s2+$0xFFFFFFF0] =	vst v4;
	s7 =	sadd.s32 $0x40, s7  }
0x1d4: {  	v11 =	vld [tilespmem:s12+$0xFFFFFFF0];
	p0 =	slt.u32 s13, $0xFC0;
	[tilespmem:s7+$0x10] =	vst v6  }
0x1d5: {  	v4 =	vld.idx.msk [tilespmem:v2+s30+$0x0], $0xffff;
	[tilespmem:s2+$0x0] =	vst v5  }
0x1d6: {  	v12 =	vld [tilespmem:s12+$0x0];
	[tilespmem:s7+$0xFFFFFFF0] =	vst v7  }
0x1d7: {  	v5 =	vld [tilespmem:s12+$0xFFFFFFE0];
	[tilespmem:s7+$0x0] =	vst v8  }
0x1d8: {  	[tilespmem:s7+$0xFFFFFFE0] =	vst v9;
	v6 =	vld.idx.msk [tilespmem:v0+s30+$0x0], $0xffff  }
0x1d9: {  	v7 =	vld.idx.msk [tilespmem:v3+s30+$0x0], $0xffff  }
0x1da: {  	s1 =	sadd.s32 $0x40, s1;
	v8 =	vld.idx.msk [tilespmem:v1+s30+$0x0], $0xffff  }
0x1db: {  	v9 =	vld.idx.msk [tilespmem:v10+s28+$0x0], $0xffff;
	[tilespmem:s1+$0x10] =	vst v4  }
0x1dc: {  	v13 =	vld.idx.msk [tilespmem:v2+s31+$0x0], $0xffff;
	v2 =	vmov v10  }
0x1dd: {  	v10 =	vld.idx.msk [tilespmem:v11+s28+$0x0], $0xffff  }
0x1de: {  	v14 =	vld.idx.msk [tilespmem:v12+s28+$0x0], $0xffff;
	[tilespmem:s1+$0xFFFFFFF0] =	vst v6  }
0x1df: {  	v15 =	vld.idx.msk [tilespmem:v5+s28+$0x0], $0xffff;
	[tilespmem:s1+$0xFFFFFFE0] =	vst v7  }
0x1e0: {  	s6 =	sadd.s32 $0x40, s6;
	v16 =	vld.idx.msk [tilespmem:v3+s31+$0x0], $0xffff;
	[tilespmem:s1+$0x0] =	vst v8;
	v3 =	vmov v5  }
0x1e1: {  	s2 =	sadd.s32 $0x40, s2;
	[tilespmem:s6+$0x10] =	vst v9;
	v4 =	vld.idx.msk [tilespmem:v0+s31+$0x0], $0xffff;
	v0 =	vmov v11  }
.Ltmp5:
0x1e2: {  	v6 =	vld.idx.msk [tilespmem:v2+s29+$0x0], $0xffff;
	[tilespmem:s2+$0x10] =	vst v13;
	(pc) =	sbr.rel @p0 .LBB2_11-.Ltmp5, $4  }
0x1e3: {  	[tilespmem:s6+$0xFFFFFFF0] =	vst v10;
	v5 =	vld.idx.msk [tilespmem:v1+s31+$0x0], $0xffff;
	v1 =	vmov v12  }
0x1e4: {  	v7 =	vld.idx.msk [tilespmem:v11+s29+$0x0], $0xffff;
	[tilespmem:s6+$0x0] =	vst v14  }
0x1e5: {  	[tilespmem:s6+$0xFFFFFFE0] =	vst v15;
	v8 =	vld.idx.msk [tilespmem:v12+s29+$0x0], $0xffff  }
0x1e6: {  	s12 =	sadd.s32 $0x40, s12;
	v9 =	vld.idx.msk [tilespmem:v3+s29+$0x0], $0xffff;
	[tilespmem:s2+$0xFFFFFFE0] =	vst v16  }
0x1e7: {  	_ =	sdelay $0x1  }
0x1e8: {  	s6 =	sadd.s32 $0x40, s7  }
0x1e9: {  	[tilespmem:s6+$0x10] =	vst v6  }
0x1ea: {  	v6 =	vld.idx.msk [tilespmem:v2+s30+$0x0], $0xffff;
	[tilespmem:s6+$0xFFFFFFF0] =	vst v7  }
0x1eb: {  	[tilespmem:s6+$0x0] =	vst v8;
	v58 =	vld.idx.msk [tilespmem:v0+s30+$0x0], $0xffff  }
0x1ec: {  	[tilespmem:s6+$0xFFFFFFE0] =	vst v9;
	v59 =	vld.idx.msk [tilespmem:v1+s30+$0x0], $0xffff  }
0x1ed: {  	v57 =	vld.idx.msk [tilespmem:v3+s30+$0x0], $0xffff  }
0x1ee: {  	s1 =	sadd.s32 $0x40, s1  }
0x1ef: {  	[tilespmem:s1+$0x10] =	vst v6  }
0x1f0: {  	v60 =	vld.idx.msk [tilespmem:v2+s31+$0x0], $0xffff;
	[tilespmem:s1+$0xFFFFFFF0] =	vst v58  }
0x1f1: {  	[tilespmem:s1+$0x0] =	vst v59;
	v62 =	vld.idx.msk [tilespmem:v0+s31+$0x0], $0xffff  }
0x1f2: {  	[tilespmem:s1+$0xFFFFFFE0] =	vst v57;
	v63 =	vld.idx.msk [tilespmem:v1+s31+$0x0], $0xffff  }
0x1f3: {  	[tilespmem:s2+$0xFFFFFFF0] =	vst v4;
	v61 =	vld.idx.msk [tilespmem:v3+s31+$0x0], $0xffff  }
0x1f4: {  	s7 =	sadd.s32 $0x40, s2;
	[tilespmem:s2+$0x0] =	vst v5  }
0x1f5: {  	[tilespmem:s7+$0x10] =	vst v60  }
0x1f6: {  	[tilespmem:s7+$0xFFFFFFF0] =	vst v62  }
0x1f7: {  	[tilespmem:s7+$0x0] =	vst v63  }
0x1f8: {  	[tilespmem:s7+$0xFFFFFFE0] =	vst v61  }
0x1f9: {  	s12 =	simm.s32 $0xD000;
	s1 =	rddreg [dreg:$0x12]  }
0x1fa: {  	[hbm4b:s1+s24] =	stream.strided.scatter [tilespmem:s12], [sflag:$0x4], $0x1000, s25, s24, $0x38;
	[tilespmem:$0x19000] =	vst v63  }
0x1fb: {  	s15 =	simm.s32 $0xE000;
	s13 =	rddreg [dreg:$0x13]  }
0x1fc: {  	[hbm4b:s13+s24] =	stream.strided.scatter [tilespmem:s15], [sflag:$0x4], $0x1000, s25, s24, $0x38;
	[tilespmem:$0x19000] =	vst v63  }
0x1fd: {  	s18 =	simm.s32 $0xF000;
	s17 =	rddreg [dreg:$0x14]  }
0x1fe: {  	[hbm4b:s17+s24] =	stream.strided.scatter [tilespmem:s18], [sflag:$0x4], $0x1000, s25, s24, $0x38;
	[tilespmem:$0x19000] =	vst v63  }
0x1ff: {  	s20 =	simm.s32 $0x10000;
	s21 =	simm.s32 $0x5;
	s19 =	rddreg [dreg:$0x15]  }
0x200: {  	[hbm4b:s19+s24] =	stream.strided.scatter [tilespmem:s20], [sflag:$0x4], $0x1000, s25, s24, $0x38;
	[tilespmem:$0x19000] =	vst v63  }
0x201: {  	_ =	swait.ge [sflag:s21], $0x1000  }
0x202: {  	[sflag:s21] =	ssyncset.done $0x0  }
0x203: {  	[sflag:s21] =	ssyncadd.s32 $0xFFFFF000  }
0x204: {  	_ =	swait.ge [sflag:s21], $0x1000  }
0x205: {  	[sflag:s21] =	ssyncset.done $0x0  }
0x206: {  	[sflag:s21] =	ssyncadd.s32 $0xFFFFF000  }
0x207: {  	_ =	swait.ge [sflag:s21], $0x1000  }
0x208: {  	[sflag:s21] =	ssyncset.done $0x0  }
0x209: {  	[sflag:s21] =	ssyncadd.s32 $0xFFFFF000  }
0x20a: {  	_ =	swait.ge [sflag:s21], $0x1000  }
0x20b: {  	[sflag:s21] =	ssyncset.done $0x0  }
0x20c: {  	s22 =	simm.s32 $0x6;
	[sflag:s21] =	ssyncadd.s32 $0xFFFFF000  }
0x20d: {  	_ =	swait.ge [sflag:s22], $0x1000  }
0x20e: {  	[sflag:s22] =	ssyncset.done $0x0  }
0x20f: {  	[sflag:s22] =	ssyncadd.s32 $0xFFFFF000  }
0x210: {  	_ =	swait.ge [sflag:s22], $0x1000  }
0x211: {  	[sflag:s22] =	ssyncset.done $0x0  }
0x212: {  	[sflag:s22] =	ssyncadd.s32 $0xFFFFF000  }
0x213: {  	_ =	swait.ge [sflag:s22], $0x1000  }
0x214: {  	[sflag:s22] =	ssyncset.done $0x0  }
0x215: {  	[sflag:s22] =	ssyncadd.s32 $0xFFFFF000  }
0x216: {  	_ =	swait.ge [sflag:s22], $0x1000  }
0x217: {  	[sflag:s22] =	ssyncset.done $0x0  }
0x218: {  	[sflag:s22] =	ssyncadd.s32 $0xFFFFF000  }
0x219: {  	_ =	swait.ge [sflag:s14], $0x1000  }
0x21a: {  	[sflag:s14] =	ssyncset.done $0x0  }
0x21b: {  	[sflag:s14] =	ssyncadd.s32 $0xFFFFF000  }
0x21c: {  	_ =	swait.ge [sflag:s14], $0x1000  }
0x21d: {  	[sflag:s14] =	ssyncset.done $0x0  }
0x21e: {  	[sflag:s14] =	ssyncadd.s32 $0xFFFFF000  }
0x21f: {  	_ =	swait.ge [sflag:s14], $0x1000  }
0x220: {  	[sflag:s14] =	ssyncset.done $0x0  }
0x221: {  	[sflag:s14] =	ssyncadd.s32 $0xFFFFF000  }
0x222: {  	_ =	swait.ge [sflag:s14], $0x1000  }
0x223: {  	s23 =	rddreg [dreg:$0x17]  }
0x224: {  	s26 =	rddreg [dreg:$0x16];
	s2 =	sadd.s32 $0x1, s23  }
0x225: {  	p0 =	sne.s32 s2, s26  }
.Ltmp6:
0x226: {  	_ = 	snop;
	(pc) =	sbr.rel @p0 .LBB2_1-.Ltmp6, $3  }
0x227: {  	_ =	sdelay $0x1  }
0x228: {  	[sflag:s14] =	ssyncset.done $0x0  }
0x229: {  	[sflag:s14] =	ssyncadd.s32 $0xFFFFF000  }
0x22a: {  	_ =	sfence.sel $0x180000  }
0x22b: {  	[bflag:$0x0] =	sbarrier.arrive $0xFFFF  }
0x22c: {  	_ =	strace $0x90000047  }
0x22d: {  	s0 =	stileid.u32;
	[bflag:$0x2] =	sbarrier.arrive $0xFFFF  }
0x22e: {  	p0 =	sne.s32 s0, $0x0;
	s0 =	rddreg [dreg:$0x3]  }
0x22f: {  	s0 =	sadd.s32 @!p0 $0x100000, s0  }
0x230: {  	[sflag:s0] =	ssyncadd.tile.s32 @!p0 $0x1;
	_ =	shalt  }
.Lfunc_end2:
_tile_overlayer_lowered:
.L_overlay_start_2:
0x231: {  	(tag) =	ssettag $0x2  }
0x232: {  	s0 =	rddreg [dreg:$0x0];
	s2 =	stileid.u32  }
0x233: {  	s1 =	rddreg [dreg:$0x1];
	p0 =	sne.s32 s2, $0x0  }
0x234: {  	s3 =	rddreg [dreg:$0x2];
	[bflag:$0x3] =	sbarrier.arrive $0xFFFF;
	s2 =	simm.s32 @!p0 $0x1C07  }
0x235: {  	[timem:s3], [sflag:s2] =	dma.local @!p0 [hbm:s0], s1  }
0x236: {  	s0 =	simm.s32 @!p0 $0x7  }
0x237: {  	_ =	swait.ge @!p0 [sflag:s0], s1  }
0x238: {  	s1 =	ssub.s32 @!p0 $0x0, s1;
	[sflag:s0] =	ssyncset.done @!p0 $0x0  }
0x239: {  	[sflag:s0] =	ssyncadd.s32 @!p0 s1  }
0x23a: {  	[bflag:$0x3] =	sbarrier.arrive $0xFFFF  }
0x23b: {  	_ =	shalt  }

</sc_bundles>
